<compile_context>
chip_gen: v7x
topology: tpu7x:2x2x1
jax: 0.10.2.dev20260603
libtpu: 0.0.44.dev20260713+nightly
codegen_flags: <defaults>
</compile_context>

<pallas_src>
import functools

import jax
import jax.numpy as jnp
from jax import lax
from jax.experimental import pallas as pl
from jax.experimental.pallas import tpu as pltpu
from jax.experimental.pallas import tpu_sc as plsc

BATCH = 16384
EMBED = 32
C1_NUM = 10000
C2_NUM = 100
NC = 2
NS = 16
NW = NC * NS
BPW = BATCH // NW
IC = 128
NCHUNK = BPW // IC
LANES = 16


def _sc_body(uid_hbm, iid_hbm, ut_hbm, it_hbm, ct1_hbm, ct2_hbm, a1_hbm, a2_hbm,
             out_hbm,
             uid_v, iid_v, c1_v, u_v, b_v, l1_v, ct2_v, a2_v, out_v,
             sem_u, sem_b, sem_c1, sem_l1, sem_t):
    wid = lax.axis_index("s") * NC + lax.axis_index("c")
    base = wid * BPW

    pltpu.sync_copy(uid_hbm.at[pl.ds(base, BPW)], uid_v)
    pltpu.sync_copy(iid_hbm.at[pl.ds(base, BPW)], iid_v)

    t1 = pltpu.async_copy(a2_hbm, a2_v, sem_t)
    t2 = pltpu.async_copy(ct2_hbm, ct2_v, sem_t)

    hu, hb, hc = [], [], []
    for j in range(NCHUNK):
        s = pl.ds(j * IC, IC)
        hu.append(pltpu.async_copy(ut_hbm.at[uid_v.at[s]], u_v.at[s], sem_u))
        hb.append(pltpu.async_copy(it_hbm.at[iid_v.at[s]], b_v.at[s], sem_b))
        hc.append(pltpu.async_copy(a1_hbm.at[iid_v.at[s]], c1_v.at[s], sem_c1))
    for h in hc:
        h.wait()
    hl = []
    for j in range(NCHUNK):
        s = pl.ds(j * IC, IC)
        hl.append(pltpu.async_copy(ct1_hbm.at[c1_v.at[s]], l1_v.at[s], sem_l1))
    t1.wait()
    t2.wait()
    for h in hu:
        h.wait()
    for h in hb:
        h.wait()
    for h in hl:
        h.wait()

    iota = lax.iota(jnp.int32, LANES)

    def body(g, carry):
        rows = g * LANES + iota
        c1 = plsc.load_gather(c1_v, [rows])
        c2 = plsc.load_gather(a2_v, [c1])
        acc = jnp.zeros((LANES,), jnp.float32)
        for d in range(EMBED):
            cold = jnp.full((LANES,), d, jnp.int32)
            u = plsc.load_gather(u_v, [rows, cold])
            v = (plsc.load_gather(b_v, [rows, cold])
                 + plsc.load_gather(l1_v, [rows, cold])
                 + plsc.load_gather(ct2_v, [c2, cold]))
            acc = acc + u * v
        plsc.store_scatter(out_v, [rows], acc)
        return carry

    lax.fori_loop(0, BPW // LANES, body, 0)
    pltpu.sync_copy(out_v, out_hbm.at[pl.ds(base, BPW)])


@functools.partial(jax.jit)
def _run(uid, iid, ut, it, ct1, ct2, a1, a2):
    mesh = plsc.VectorSubcoreMesh(core_axis_name="c", subcore_axis_name="s")
    k = pl.kernel(
        _sc_body,
        mesh=mesh,
        compiler_params=pltpu.CompilerParams(
            needs_layout_passes=False, use_tc_tiling_on_sc=False),
        out_type=jax.ShapeDtypeStruct((BATCH,), jnp.float32),
        scratch_types=[
            pltpu.VMEM((BPW,), jnp.int32),
            pltpu.VMEM((BPW,), jnp.int32),
            pltpu.VMEM((BPW,), jnp.int32),
            pltpu.VMEM((BPW, EMBED), jnp.float32),
            pltpu.VMEM((BPW, EMBED), jnp.float32),
            pltpu.VMEM((BPW, EMBED), jnp.float32),
            pltpu.VMEM((C2_NUM, EMBED), jnp.float32),
            pltpu.VMEM((C1_NUM,), jnp.int32),
            pltpu.VMEM((BPW,), jnp.float32),
            pltpu.SemaphoreType.DMA,
            pltpu.SemaphoreType.DMA,
            pltpu.SemaphoreType.DMA,
            pltpu.SemaphoreType.DMA,
            pltpu.SemaphoreType.DMA,
        ],
    )
    return k(uid, iid, ut, it, ct1, ct2, a1, a2)


def kernel(X, user_table, item_table, cluster_table1, cluster_table2, assign1, assign2):
    uid = X[:, 0].astype(jnp.int32)
    iid = X[:, 1].astype(jnp.int32)
    out = _run(uid, iid, user_table, item_table, cluster_table1, cluster_table2,
               assign1.astype(jnp.int32), assign2.astype(jnp.int32))
    return out.reshape(BATCH, 1)

# --- scband reference (transcript-rebuilt; emitter-appended) ---
"""Pipeline reference for scband-he-mf-item-9277129359807 (READ-ONLY COPY).

The authoritative reference and input builder live on the scoring server;
editing this copy changes nothing except your own understanding.
"""

import jax, jax.numpy as jnp
import numpy as np

USER_NUM = 1000000
ITEM_NUM = 1000000
CLUSTER_NUMS = [10000, 100]
EMBED_DIM = 32
BATCH = 16384


def setup_inputs(seed: int = 0) -> dict:
    key = jax.random.key(seed)
    k_x, k_u, k_i0, k_c1, k_c2, k_a1, k_a2 = jax.random.split(key, 7)
    X = jax.random.randint(k_x, (BATCH, 2), 0, ITEM_NUM, dtype=jnp.int64) if jax.config.jax_enable_x64 else jax.random.randint(k_x, (BATCH, 2), 0, ITEM_NUM, dtype=jnp.int32)
    user_table = jax.random.normal(k_u, (USER_NUM, EMBED_DIM), dtype=jnp.float32) * 0.05
    item_table = jax.random.normal(k_i0, (ITEM_NUM, EMBED_DIM), dtype=jnp.float32) * 0.05
    cluster_table1 = jax.random.normal(k_c1, (CLUSTER_NUMS[0], EMBED_DIM), dtype=jnp.float32) * 0.05
    cluster_table2 = jax.random.normal(k_c2, (CLUSTER_NUMS[1], EMBED_DIM), dtype=jnp.float32) * 0.05
    assign1 = jax.random.randint(k_a1, (ITEM_NUM,), 0, CLUSTER_NUMS[0], dtype=jnp.int32)
    assign2 = jax.random.randint(k_a2, (CLUSTER_NUMS[0],), 0, CLUSTER_NUMS[1], dtype=jnp.int32)
    return {
        "X": X,
        "user_table": user_table,
        "item_table": item_table,
        "cluster_table1": cluster_table1,
        "cluster_table2": cluster_table2,
        "assign1": assign1,
        "assign2": assign2,
    }


def _he_get_embed(item_ids, item_table, cluster_table1, cluster_table2, assign1, assign2):
    # Hierarchical embedding: base item embedding + level-1 cluster embedding
    # + level-2 cluster embedding (clusters of clusters).
    base = jnp.take(item_table, item_ids, axis=0)
    c1_ids = jnp.take(assign1, item_ids, axis=0)
    lvl1 = jnp.take(cluster_table1, c1_ids, axis=0)
    c2_ids = jnp.take(assign2, c1_ids, axis=0)
    lvl2 = jnp.take(cluster_table2, c2_ids, axis=0)
    return base + lvl1 + lvl2


def reference(X, user_table, item_table, cluster_table1, cluster_table2, assign1, assign2):
    user_ids = X[:, 0]
    item_ids = X[:, 1]
    U = jnp.take(user_table, user_ids, axis=0)
    V = _he_get_embed(item_ids, item_table, cluster_table1, cluster_table2, assign1, assign2)
    return jnp.sum(U * V, axis=1, keepdims=True)

if __name__ == "__main__":
    import jax
    _d = setup_inputs()
    print(jax.jit(kernel)(*tuple(_d.values())))

</pallas_src>

<mosaic_0001>
#map = affine_map<(d0, d1) -> (0)>
#map1 = affine_map<(d0, d1) -> (0, 0)>
module attributes {stable_mosaic.version = 14 : i64} {
  func.func @_sc_body(%arg0: i32, %arg1: i32, %arg2: memref<16384xi32, #tpu.memory_space<hbm>>, %arg3: memref<16384xi32, #tpu.memory_space<hbm>>, %arg4: memref<1000000x32xf32, #tpu.memory_space<hbm>>, %arg5: memref<1000000x32xf32, #tpu.memory_space<hbm>>, %arg6: memref<10000x32xf32, #tpu.memory_space<hbm>>, %arg7: memref<100x32xf32, #tpu.memory_space<hbm>>, %arg8: memref<1000000xi32, #tpu.memory_space<hbm>>, %arg9: memref<10000xi32, #tpu.memory_space<hbm>>, %arg10: memref<16384xf32, #tpu.memory_space<hbm>>, %arg11: memref<512xi32, #tpu.memory_space<vmem>>, %arg12: memref<512xi32, #tpu.memory_space<vmem>>, %arg13: memref<512xi32, #tpu.memory_space<vmem>>, %arg14: memref<512x32xf32, #tpu.memory_space<vmem>>, %arg15: memref<512x32xf32, #tpu.memory_space<vmem>>, %arg16: memref<512x32xf32, #tpu.memory_space<vmem>>, %arg17: memref<100x32xf32, #tpu.memory_space<vmem>>, %arg18: memref<10000xi32, #tpu.memory_space<vmem>>, %arg19: memref<512xf32, #tpu.memory_space<vmem>>, %arg20: memref<!tpu.dma_semaphore, #tpu.memory_space<semaphore_mem>>, %arg21: memref<!tpu.dma_semaphore, #tpu.memory_space<semaphore_mem>>, %arg22: memref<!tpu.dma_semaphore, #tpu.memory_space<semaphore_mem>>, %arg23: memref<!tpu.dma_semaphore, #tpu.memory_space<semaphore_mem>>, %arg24: memref<!tpu.dma_semaphore, #tpu.memory_space<semaphore_mem>>) attributes {dimension_semantics = [#tpu.dimension_semantics<core_parallel>, #tpu.dimension_semantics<subcore_parallel>], iteration_bounds = array<i64: 2, 16>, scalar_prefetch = 0 : i64, scratch_operands = 14 : i64, tpu.core_type = #tpu.core_type<sc_vector_subcore>, window_params = [{transform_indices = #map}, {transform_indices = #map}, {transform_indices = #map1}, {transform_indices = #map1}, {transform_indices = #map1}, {transform_indices = #map1}, {transform_indices = #map}, {transform_indices = #map}, {transform_indices = #map}]} {
    %mul3A = arith.constant 2 : i32
    %mul3A_0 = arith.muli %arg1, %mul3A : i32
    %add3A = arith.addi %mul3A_0, %arg0 : i32
    %mul3A_1 = arith.constant 512 : i32
    %mul3A_2 = arith.muli %add3A, %mul3A_1 : i32
    "tpu.region"() ({
      %run_scoped3A = tpu.sem_alloc : memref<!tpu.dma_semaphore, #tpu.memory_space<semaphore_mem>>
      %dma_start3A_246 = tpu.memref_slice %arg2[%mul3A_2] : memref<16384xi32, #tpu.memory_space<hbm>> -> memref<512xi32, #tpu.memory_space<hbm>>
      %dma_start3A_247 = tpu.memref_slice %arg2[%mul3A_2] : memref<16384xi32, #tpu.memory_space<hbm>> -> memref<512xi32, #tpu.memory_space<hbm>>
      tpu.enqueue_dma source(%dma_start3A_247 : memref<512xi32, #tpu.memory_space<hbm>>) target(%arg11 : memref<512xi32, #tpu.memory_space<vmem>>) target_semaphore(%run_scoped3A : memref<!tpu.dma_semaphore, #tpu.memory_space<semaphore_mem>>)
      %dma_wait3A_248 = tpu.memref_slice %arg2[%mul3A_2] : memref<16384xi32, #tpu.memory_space<hbm>> -> memref<512xi32, #tpu.memory_space<hbm>>
      %dma_wait3A_249 = tpu.memref_slice %arg2[%mul3A_2] : memref<16384xi32, #tpu.memory_space<hbm>> -> memref<512xi32, #tpu.memory_space<hbm>>
      tpu.wait_dma2 semaphore(%run_scoped3A : memref<!tpu.dma_semaphore, #tpu.memory_space<semaphore_mem>>) src(%dma_wait3A_249 : memref<512xi32, #tpu.memory_space<hbm>>) dst(%arg11 : memref<512xi32, #tpu.memory_space<vmem>>)
      tpu.yield
    }) : () -> ()
    "tpu.region"() ({
      %run_scoped3A = tpu.sem_alloc : memref<!tpu.dma_semaphore, #tpu.memory_space<semaphore_mem>>
      %dma_start3A_246 = tpu.memref_slice %arg3[%mul3A_2] : memref<16384xi32, #tpu.memory_space<hbm>> -> memref<512xi32, #tpu.memory_space<hbm>>
      %dma_start3A_247 = tpu.memref_slice %arg3[%mul3A_2] : memref<16384xi32, #tpu.memory_space<hbm>> -> memref<512xi32, #tpu.memory_space<hbm>>
      tpu.enqueue_dma source(%dma_start3A_247 : memref<512xi32, #tpu.memory_space<hbm>>) target(%arg12 : memref<512xi32, #tpu.memory_space<vmem>>) target_semaphore(%run_scoped3A : memref<!tpu.dma_semaphore, #tpu.memory_space<semaphore_mem>>)
      %dma_wait3A_248 = tpu.memref_slice %arg3[%mul3A_2] : memref<16384xi32, #tpu.memory_space<hbm>> -> memref<512xi32, #tpu.memory_space<hbm>>
      %dma_wait3A_249 = tpu.memref_slice %arg3[%mul3A_2] : memref<16384xi32, #tpu.memory_space<hbm>> -> memref<512xi32, #tpu.memory_space<hbm>>
      tpu.wait_dma2 semaphore(%run_scoped3A : memref<!tpu.dma_semaphore, #tpu.memory_space<semaphore_mem>>) src(%dma_wait3A_249 : memref<512xi32, #tpu.memory_space<hbm>>) dst(%arg12 : memref<512xi32, #tpu.memory_space<vmem>>)
      tpu.yield
    }) : () -> ()
    tpu.enqueue_dma source(%arg9 : memref<10000xi32, #tpu.memory_space<hbm>>) target(%arg18 : memref<10000xi32, #tpu.memory_space<vmem>>) target_semaphore(%arg24 : memref<!tpu.dma_semaphore, #tpu.memory_space<semaphore_mem>>)
    tpu.enqueue_dma source(%arg7 : memref<100x32xf32, #tpu.memory_space<hbm>>) target(%arg17 : memref<100x32xf32, #tpu.memory_space<vmem>>) target_semaphore(%arg24 : memref<!tpu.dma_semaphore, #tpu.memory_space<semaphore_mem>>)
    %dma_start3A = arith.constant 0 : i32
    %dma_start3A_3 = arith.constant 0 : i32
    %dma_start3A_4 = tpu.memref_slice %arg14[%dma_start3A, %dma_start3A_3] : memref<512x32xf32, #tpu.memory_space<vmem>> -> memref<128x32xf32, #tpu.memory_space<vmem>>
    %dma_start3A_5 = arith.constant 0 : i32
    %dma_start3A_6 = tpu.memref_slice %arg11[%dma_start3A_5] : memref<512xi32, #tpu.memory_space<vmem>> -> memref<128xi32, #tpu.memory_space<vmem>>
    %dma_start3A_7 = arith.constant 0 : i32
    %dma_start3A_8 = arith.constant 0 : i32
    %dma_start3A_9 = tpu.memref_slice %arg4[%dma_start3A_7, %dma_start3A_8] : memref<1000000x32xf32, #tpu.memory_space<hbm>> -> memref<1000000x32xf32, #tpu.memory_space<hbm>>
    tpu.enqueue_indirect_dma source(%dma_start3A_9 : memref<1000000x32xf32, #tpu.memory_space<hbm>>) target(%dma_start3A_4 : memref<128x32xf32, #tpu.memory_space<vmem>>) offsets(%dma_start3A_6 : memref<128xi32, #tpu.memory_space<vmem>>) semaphore(%arg20 : memref<!tpu.dma_semaphore, #tpu.memory_space<semaphore_mem>>)
    %dma_start3A_10 = arith.constant 0 : i32
    %dma_start3A_11 = arith.constant 0 : i32
    %dma_start3A_12 = tpu.memref_slice %arg15[%dma_start3A_10, %dma_start3A_11] : memref<512x32xf32, #tpu.memory_space<vmem>> -> memref<128x32xf32, #tpu.memory_space<vmem>>
    %dma_start3A_13 = arith.constant 0 : i32
    %dma_start3A_14 = tpu.memref_slice %arg12[%dma_start3A_13] : memref<512xi32, #tpu.memory_space<vmem>> -> memref<128xi32, #tpu.memory_space<vmem>>
    %dma_start3A_15 = arith.constant 0 : i32
    %dma_start3A_16 = arith.constant 0 : i32
    %dma_start3A_17 = tpu.memref_slice %arg5[%dma_start3A_15, %dma_start3A_16] : memref<1000000x32xf32, #tpu.memory_space<hbm>> -> memref<1000000x32xf32, #tpu.memory_space<hbm>>
    tpu.enqueue_indirect_dma source(%dma_start3A_17 : memref<1000000x32xf32, #tpu.memory_space<hbm>>) target(%dma_start3A_12 : memref<128x32xf32, #tpu.memory_space<vmem>>) offsets(%dma_start3A_14 : memref<128xi32, #tpu.memory_space<vmem>>) semaphore(%arg21 : memref<!tpu.dma_semaphore, #tpu.memory_space<semaphore_mem>>)
    %dma_start3A_18 = arith.constant 0 : i32
    %dma_start3A_19 = tpu.memref_slice %arg13[%dma_start3A_18] : memref<512xi32, #tpu.memory_space<vmem>> -> memref<128xi32, #tpu.memory_space<vmem>>
    %dma_start3A_20 = arith.constant 0 : i32
    %dma_start3A_21 = tpu.memref_slice %arg12[%dma_start3A_20] : memref<512xi32, #tpu.memory_space<vmem>> -> memref<128xi32, #tpu.memory_space<vmem>>
    %dma_start3A_22 = arith.constant 0 : i32
    %dma_start3A_23 = tpu.memref_slice %arg8[%dma_start3A_22] : memref<1000000xi32, #tpu.memory_space<hbm>> -> memref<1000000xi32, #tpu.memory_space<hbm>>
    tpu.enqueue_indirect_dma source(%dma_start3A_23 : memref<1000000xi32, #tpu.memory_space<hbm>>) target(%dma_start3A_19 : memref<128xi32, #tpu.memory_space<vmem>>) offsets(%dma_start3A_21 : memref<128xi32, #tpu.memory_space<vmem>>) semaphore(%arg22 : memref<!tpu.dma_semaphore, #tpu.memory_space<semaphore_mem>>)
    %dma_start3A_24 = arith.constant 128 : i32
    %dma_start3A_25 = arith.constant 0 : i32
    %dma_start3A_26 = tpu.memref_slice %arg14[%dma_start3A_24, %dma_start3A_25] : memref<512x32xf32, #tpu.memory_space<vmem>> -> memref<128x32xf32, #tpu.memory_space<vmem>>
    %dma_start3A_27 = arith.constant 128 : i32
    %dma_start3A_28 = tpu.memref_slice %arg11[%dma_start3A_27] : memref<512xi32, #tpu.memory_space<vmem>> -> memref<128xi32, #tpu.memory_space<vmem>>
    %dma_start3A_29 = arith.constant 0 : i32
    %dma_start3A_30 = arith.constant 0 : i32
    %dma_start3A_31 = tpu.memref_slice %arg4[%dma_start3A_29, %dma_start3A_30] : memref<1000000x32xf32, #tpu.memory_space<hbm>> -> memref<1000000x32xf32, #tpu.memory_space<hbm>>
    tpu.enqueue_indirect_dma source(%dma_start3A_31 : memref<1000000x32xf32, #tpu.memory_space<hbm>>) target(%dma_start3A_26 : memref<128x32xf32, #tpu.memory_space<vmem>>) offsets(%dma_start3A_28 : memref<128xi32, #tpu.memory_space<vmem>>) semaphore(%arg20 : memref<!tpu.dma_semaphore, #tpu.memory_space<semaphore_mem>>)
    %dma_start3A_32 = arith.constant 128 : i32
    %dma_start3A_33 = arith.constant 0 : i32
    %dma_start3A_34 = tpu.memref_slice %arg15[%dma_start3A_32, %dma_start3A_33] : memref<512x32xf32, #tpu.memory_space<vmem>> -> memref<128x32xf32, #tpu.memory_space<vmem>>
    %dma_start3A_35 = arith.constant 128 : i32
    %dma_start3A_36 = tpu.memref_slice %arg12[%dma_start3A_35] : memref<512xi32, #tpu.memory_space<vmem>> -> memref<128xi32, #tpu.memory_space<vmem>>
    %dma_start3A_37 = arith.constant 0 : i32
    %dma_start3A_38 = arith.constant 0 : i32
    %dma_start3A_39 = tpu.memref_slice %arg5[%dma_start3A_37, %dma_start3A_38] : memref<1000000x32xf32, #tpu.memory_space<hbm>> -> memref<1000000x32xf32, #tpu.memory_space<hbm>>
    tpu.enqueue_indirect_dma source(%dma_start3A_39 : memref<1000000x32xf32, #tpu.memory_space<hbm>>) target(%dma_start3A_34 : memref<128x32xf32, #tpu.memory_space<vmem>>) offsets(%dma_start3A_36 : memref<128xi32, #tpu.memory_space<vmem>>) semaphore(%arg21 : memref<!tpu.dma_semaphore, #tpu.memory_space<semaphore_mem>>)
    %dma_start3A_40 = arith.constant 128 : i32
    %dma_start3A_41 = tpu.memref_slice %arg13[%dma_start3A_40] : memref<512xi32, #tpu.memory_space<vmem>> -> memref<128xi32, #tpu.memory_space<vmem>>
    %dma_start3A_42 = arith.constant 128 : i32
    %dma_start3A_43 = tpu.memref_slice %arg12[%dma_start3A_42] : memref<512xi32, #tpu.memory_space<vmem>> -> memref<128xi32, #tpu.memory_space<vmem>>
    %dma_start3A_44 = arith.constant 0 : i32
    %dma_start3A_45 = tpu.memref_slice %arg8[%dma_start3A_44] : memref<1000000xi32, #tpu.memory_space<hbm>> -> memref<1000000xi32, #tpu.memory_space<hbm>>
    tpu.enqueue_indirect_dma source(%dma_start3A_45 : memref<1000000xi32, #tpu.memory_space<hbm>>) target(%dma_start3A_41 : memref<128xi32, #tpu.memory_space<vmem>>) offsets(%dma_start3A_43 : memref<128xi32, #tpu.memory_space<vmem>>) semaphore(%arg22 : memref<!tpu.dma_semaphore, #tpu.memory_space<semaphore_mem>>)
    %dma_start3A_46 = arith.constant 256 : i32
    %dma_start3A_47 = arith.constant 0 : i32
    %dma_start3A_48 = tpu.memref_slice %arg14[%dma_start3A_46, %dma_start3A_47] : memref<512x32xf32, #tpu.memory_space<vmem>> -> memref<128x32xf32, #tpu.memory_space<vmem>>
    %dma_start3A_49 = arith.constant 256 : i32
    %dma_start3A_50 = tpu.memref_slice %arg11[%dma_start3A_49] : memref<512xi32, #tpu.memory_space<vmem>> -> memref<128xi32, #tpu.memory_space<vmem>>
    %dma_start3A_51 = arith.constant 0 : i32
    %dma_start3A_52 = arith.constant 0 : i32
    %dma_start3A_53 = tpu.memref_slice %arg4[%dma_start3A_51, %dma_start3A_52] : memref<1000000x32xf32, #tpu.memory_space<hbm>> -> memref<1000000x32xf32, #tpu.memory_space<hbm>>
    tpu.enqueue_indirect_dma source(%dma_start3A_53 : memref<1000000x32xf32, #tpu.memory_space<hbm>>) target(%dma_start3A_48 : memref<128x32xf32, #tpu.memory_space<vmem>>) offsets(%dma_start3A_50 : memref<128xi32, #tpu.memory_space<vmem>>) semaphore(%arg20 : memref<!tpu.dma_semaphore, #tpu.memory_space<semaphore_mem>>)
    %dma_start3A_54 = arith.constant 256 : i32
    %dma_start3A_55 = arith.constant 0 : i32
    %dma_start3A_56 = tpu.memref_slice %arg15[%dma_start3A_54, %dma_start3A_55] : memref<512x32xf32, #tpu.memory_space<vmem>> -> memref<128x32xf32, #tpu.memory_space<vmem>>
    %dma_start3A_57 = arith.constant 256 : i32
    %dma_start3A_58 = tpu.memref_slice %arg12[%dma_start3A_57] : memref<512xi32, #tpu.memory_space<vmem>> -> memref<128xi32, #tpu.memory_space<vmem>>
    %dma_start3A_59 = arith.constant 0 : i32
    %dma_start3A_60 = arith.constant 0 : i32
    %dma_start3A_61 = tpu.memref_slice %arg5[%dma_start3A_59, %dma_start3A_60] : memref<1000000x32xf32, #tpu.memory_space<hbm>> -> memref<1000000x32xf32, #tpu.memory_space<hbm>>
    tpu.enqueue_indirect_dma source(%dma_start3A_61 : memref<1000000x32xf32, #tpu.memory_space<hbm>>) target(%dma_start3A_56 : memref<128x32xf32, #tpu.memory_space<vmem>>) offsets(%dma_start3A_58 : memref<128xi32, #tpu.memory_space<vmem>>) semaphore(%arg21 : memref<!tpu.dma_semaphore, #tpu.memory_space<semaphore_mem>>)
    %dma_start3A_62 = arith.constant 256 : i32
    %dma_start3A_63 = tpu.memref_slice %arg13[%dma_start3A_62] : memref<512xi32, #tpu.memory_space<vmem>> -> memref<128xi32, #tpu.memory_space<vmem>>
    %dma_start3A_64 = arith.constant 256 : i32
    %dma_start3A_65 = tpu.memref_slice %arg12[%dma_start3A_64] : memref<512xi32, #tpu.memory_space<vmem>> -> memref<128xi32, #tpu.memory_space<vmem>>
    %dma_start3A_66 = arith.constant 0 : i32
    %dma_start3A_67 = tpu.memref_slice %arg8[%dma_start3A_66] : memref<1000000xi32, #tpu.memory_space<hbm>> -> memref<1000000xi32, #tpu.memory_space<hbm>>
    tpu.enqueue_indirect_dma source(%dma_start3A_67 : memref<1000000xi32, #tpu.memory_space<hbm>>) target(%dma_start3A_63 : memref<128xi32, #tpu.memory_space<vmem>>) offsets(%dma_start3A_65 : memref<128xi32, #tpu.memory_space<vmem>>) semaphore(%arg22 : memref<!tpu.dma_semaphore, #tpu.memory_space<semaphore_mem>>)
    %dma_start3A_68 = arith.constant 384 : i32
    %dma_start3A_69 = arith.constant 0 : i32
    %dma_start3A_70 = tpu.memref_slice %arg14[%dma_start3A_68, %dma_start3A_69] : memref<512x32xf32, #tpu.memory_space<vmem>> -> memref<128x32xf32, #tpu.memory_space<vmem>>
    %dma_start3A_71 = arith.constant 384 : i32
    %dma_start3A_72 = tpu.memref_slice %arg11[%dma_start3A_71] : memref<512xi32, #tpu.memory_space<vmem>> -> memref<128xi32, #tpu.memory_space<vmem>>
    %dma_start3A_73 = arith.constant 0 : i32
    %dma_start3A_74 = arith.constant 0 : i32
    %dma_start3A_75 = tpu.memref_slice %arg4[%dma_start3A_73, %dma_start3A_74] : memref<1000000x32xf32, #tpu.memory_space<hbm>> -> memref<1000000x32xf32, #tpu.memory_space<hbm>>
    tpu.enqueue_indirect_dma source(%dma_start3A_75 : memref<1000000x32xf32, #tpu.memory_space<hbm>>) target(%dma_start3A_70 : memref<128x32xf32, #tpu.memory_space<vmem>>) offsets(%dma_start3A_72 : memref<128xi32, #tpu.memory_space<vmem>>) semaphore(%arg20 : memref<!tpu.dma_semaphore, #tpu.memory_space<semaphore_mem>>)
    %dma_start3A_76 = arith.constant 384 : i32
    %dma_start3A_77 = arith.constant 0 : i32
    %dma_start3A_78 = tpu.memref_slice %arg15[%dma_start3A_76, %dma_start3A_77] : memref<512x32xf32, #tpu.memory_space<vmem>> -> memref<128x32xf32, #tpu.memory_space<vmem>>
    %dma_start3A_79 = arith.constant 384 : i32
    %dma_start3A_80 = tpu.memref_slice %arg12[%dma_start3A_79] : memref<512xi32, #tpu.memory_space<vmem>> -> memref<128xi32, #tpu.memory_space<vmem>>
    %dma_start3A_81 = arith.constant 0 : i32
    %dma_start3A_82 = arith.constant 0 : i32
    %dma_start3A_83 = tpu.memref_slice %arg5[%dma_start3A_81, %dma_start3A_82] : memref<1000000x32xf32, #tpu.memory_space<hbm>> -> memref<1000000x32xf32, #tpu.memory_space<hbm>>
    tpu.enqueue_indirect_dma source(%dma_start3A_83 : memref<1000000x32xf32, #tpu.memory_space<hbm>>) target(%dma_start3A_78 : memref<128x32xf32, #tpu.memory_space<vmem>>) offsets(%dma_start3A_80 : memref<128xi32, #tpu.memory_space<vmem>>) semaphore(%arg21 : memref<!tpu.dma_semaphore, #tpu.memory_space<semaphore_mem>>)
    %dma_start3A_84 = arith.constant 384 : i32
    %dma_start3A_85 = tpu.memref_slice %arg13[%dma_start3A_84] : memref<512xi32, #tpu.memory_space<vmem>> -> memref<128xi32, #tpu.memory_space<vmem>>
    %dma_start3A_86 = arith.constant 384 : i32
    %dma_start3A_87 = tpu.memref_slice %arg12[%dma_start3A_86] : memref<512xi32, #tpu.memory_space<vmem>> -> memref<128xi32, #tpu.memory_space<vmem>>
    %dma_start3A_88 = arith.constant 0 : i32
    %dma_start3A_89 = tpu.memref_slice %arg8[%dma_start3A_88] : memref<1000000xi32, #tpu.memory_space<hbm>> -> memref<1000000xi32, #tpu.memory_space<hbm>>
    tpu.enqueue_indirect_dma source(%dma_start3A_89 : memref<1000000xi32, #tpu.memory_space<hbm>>) target(%dma_start3A_85 : memref<128xi32, #tpu.memory_space<vmem>>) offsets(%dma_start3A_87 : memref<128xi32, #tpu.memory_space<vmem>>) semaphore(%arg22 : memref<!tpu.dma_semaphore, #tpu.memory_space<semaphore_mem>>)
    %dma_wait3A = arith.constant 0 : i32
    %dma_wait3A_90 = tpu.memref_slice %arg13[%dma_wait3A] : memref<512xi32, #tpu.memory_space<vmem>> -> memref<128xi32, #tpu.memory_space<vmem>>
    %dma_wait3A_91 = arith.constant 0 : i32
    %dma_wait3A_92 = tpu.memref_slice %arg12[%dma_wait3A_91] : memref<512xi32, #tpu.memory_space<vmem>> -> memref<128xi32, #tpu.memory_space<vmem>>
    %dma_wait3A_93 = arith.constant 0 : i32
    %dma_wait3A_94 = tpu.memref_slice %arg8[%dma_wait3A_93] : memref<1000000xi32, #tpu.memory_space<hbm>> -> memref<1000000xi32, #tpu.memory_space<hbm>>
    tpu.wait_indirect_dma semaphore(%arg22 : memref<!tpu.dma_semaphore, #tpu.memory_space<semaphore_mem>>) src(%dma_wait3A_94 : memref<1000000xi32, #tpu.memory_space<hbm>>) dst(%dma_wait3A_90 : memref<128xi32, #tpu.memory_space<vmem>>)
    %dma_wait3A_95 = arith.constant 128 : i32
    %dma_wait3A_96 = tpu.memref_slice %arg13[%dma_wait3A_95] : memref<512xi32, #tpu.memory_space<vmem>> -> memref<128xi32, #tpu.memory_space<vmem>>
    %dma_wait3A_97 = arith.constant 128 : i32
    %dma_wait3A_98 = tpu.memref_slice %arg12[%dma_wait3A_97] : memref<512xi32, #tpu.memory_space<vmem>> -> memref<128xi32, #tpu.memory_space<vmem>>
    %dma_wait3A_99 = arith.constant 0 : i32
    %dma_wait3A_100 = tpu.memref_slice %arg8[%dma_wait3A_99] : memref<1000000xi32, #tpu.memory_space<hbm>> -> memref<1000000xi32, #tpu.memory_space<hbm>>
    tpu.wait_indirect_dma semaphore(%arg22 : memref<!tpu.dma_semaphore, #tpu.memory_space<semaphore_mem>>) src(%dma_wait3A_100 : memref<1000000xi32, #tpu.memory_space<hbm>>) dst(%dma_wait3A_96 : memref<128xi32, #tpu.memory_space<vmem>>)
    %dma_wait3A_101 = arith.constant 256 : i32
    %dma_wait3A_102 = tpu.memref_slice %arg13[%dma_wait3A_101] : memref<512xi32, #tpu.memory_space<vmem>> -> memref<128xi32, #tpu.memory_space<vmem>>
    %dma_wait3A_103 = arith.constant 256 : i32
    %dma_wait3A_104 = tpu.memref_slice %arg12[%dma_wait3A_103] : memref<512xi32, #tpu.memory_space<vmem>> -> memref<128xi32, #tpu.memory_space<vmem>>
    %dma_wait3A_105 = arith.constant 0 : i32
    %dma_wait3A_106 = tpu.memref_slice %arg8[%dma_wait3A_105] : memref<1000000xi32, #tpu.memory_space<hbm>> -> memref<1000000xi32, #tpu.memory_space<hbm>>
    tpu.wait_indirect_dma semaphore(%arg22 : memref<!tpu.dma_semaphore, #tpu.memory_space<semaphore_mem>>) src(%dma_wait3A_106 : memref<1000000xi32, #tpu.memory_space<hbm>>) dst(%dma_wait3A_102 : memref<128xi32, #tpu.memory_space<vmem>>)
    %dma_wait3A_107 = arith.constant 384 : i32
    %dma_wait3A_108 = tpu.memref_slice %arg13[%dma_wait3A_107] : memref<512xi32, #tpu.memory_space<vmem>> -> memref<128xi32, #tpu.memory_space<vmem>>
    %dma_wait3A_109 = arith.constant 384 : i32
    %dma_wait3A_110 = tpu.memref_slice %arg12[%dma_wait3A_109] : memref<512xi32, #tpu.memory_space<vmem>> -> memref<128xi32, #tpu.memory_space<vmem>>
    %dma_wait3A_111 = arith.constant 0 : i32
    %dma_wait3A_112 = tpu.memref_slice %arg8[%dma_wait3A_111] : memref<1000000xi32, #tpu.memory_space<hbm>> -> memref<1000000xi32, #tpu.memory_space<hbm>>
    tpu.wait_indirect_dma semaphore(%arg22 : memref<!tpu.dma_semaphore, #tpu.memory_space<semaphore_mem>>) src(%dma_wait3A_112 : memref<1000000xi32, #tpu.memory_space<hbm>>) dst(%dma_wait3A_108 : memref<128xi32, #tpu.memory_space<vmem>>)
    %dma_start3A_113 = arith.constant 0 : i32
    %dma_start3A_114 = arith.constant 0 : i32
    %dma_start3A_115 = tpu.memref_slice %arg16[%dma_start3A_113, %dma_start3A_114] : memref<512x32xf32, #tpu.memory_space<vmem>> -> memref<128x32xf32, #tpu.memory_space<vmem>>
    %dma_start3A_116 = arith.constant 0 : i32
    %dma_start3A_117 = tpu.memref_slice %arg13[%dma_start3A_116] : memref<512xi32, #tpu.memory_space<vmem>> -> memref<128xi32, #tpu.memory_space<vmem>>
    %dma_start3A_118 = arith.constant 0 : i32
    %dma_start3A_119 = arith.constant 0 : i32
    %dma_start3A_120 = tpu.memref_slice %arg6[%dma_start3A_118, %dma_start3A_119] : memref<10000x32xf32, #tpu.memory_space<hbm>> -> memref<10000x32xf32, #tpu.memory_space<hbm>>
    tpu.enqueue_indirect_dma source(%dma_start3A_120 : memref<10000x32xf32, #tpu.memory_space<hbm>>) target(%dma_start3A_115 : memref<128x32xf32, #tpu.memory_space<vmem>>) offsets(%dma_start3A_117 : memref<128xi32, #tpu.memory_space<vmem>>) semaphore(%arg23 : memref<!tpu.dma_semaphore, #tpu.memory_space<semaphore_mem>>)
    %dma_start3A_121 = arith.constant 128 : i32
    %dma_start3A_122 = arith.constant 0 : i32
    %dma_start3A_123 = tpu.memref_slice %arg16[%dma_start3A_121, %dma_start3A_122] : memref<512x32xf32, #tpu.memory_space<vmem>> -> memref<128x32xf32, #tpu.memory_space<vmem>>
    %dma_start3A_124 = arith.constant 128 : i32
    %dma_start3A_125 = tpu.memref_slice %arg13[%dma_start3A_124] : memref<512xi32, #tpu.memory_space<vmem>> -> memref<128xi32, #tpu.memory_space<vmem>>
    %dma_start3A_126 = arith.constant 0 : i32
    %dma_start3A_127 = arith.constant 0 : i32
    %dma_start3A_128 = tpu.memref_slice %arg6[%dma_start3A_126, %dma_start3A_127] : memref<10000x32xf32, #tpu.memory_space<hbm>> -> memref<10000x32xf32, #tpu.memory_space<hbm>>
    tpu.enqueue_indirect_dma source(%dma_start3A_128 : memref<10000x32xf32, #tpu.memory_space<hbm>>) target(%dma_start3A_123 : memref<128x32xf32, #tpu.memory_space<vmem>>) offsets(%dma_start3A_125 : memref<128xi32, #tpu.memory_space<vmem>>) semaphore(%arg23 : memref<!tpu.dma_semaphore, #tpu.memory_space<semaphore_mem>>)
    %dma_start3A_129 = arith.constant 256 : i32
    %dma_start3A_130 = arith.constant 0 : i32
    %dma_start3A_131 = tpu.memref_slice %arg16[%dma_start3A_129, %dma_start3A_130] : memref<512x32xf32, #tpu.memory_space<vmem>> -> memref<128x32xf32, #tpu.memory_space<vmem>>
    %dma_start3A_132 = arith.constant 256 : i32
    %dma_start3A_133 = tpu.memref_slice %arg13[%dma_start3A_132] : memref<512xi32, #tpu.memory_space<vmem>> -> memref<128xi32, #tpu.memory_space<vmem>>
    %dma_start3A_134 = arith.constant 0 : i32
    %dma_start3A_135 = arith.constant 0 : i32
    %dma_start3A_136 = tpu.memref_slice %arg6[%dma_start3A_134, %dma_start3A_135] : memref<10000x32xf32, #tpu.memory_space<hbm>> -> memref<10000x32xf32, #tpu.memory_space<hbm>>
    tpu.enqueue_indirect_dma source(%dma_start3A_136 : memref<10000x32xf32, #tpu.memory_space<hbm>>) target(%dma_start3A_131 : memref<128x32xf32, #tpu.memory_space<vmem>>) offsets(%dma_start3A_133 : memref<128xi32, #tpu.memory_space<vmem>>) semaphore(%arg23 : memref<!tpu.dma_semaphore, #tpu.memory_space<semaphore_mem>>)
    %dma_start3A_137 = arith.constant 384 : i32
    %dma_start3A_138 = arith.constant 0 : i32
    %dma_start3A_139 = tpu.memref_slice %arg16[%dma_start3A_137, %dma_start3A_138] : memref<512x32xf32, #tpu.memory_space<vmem>> -> memref<128x32xf32, #tpu.memory_space<vmem>>
    %dma_start3A_140 = arith.constant 384 : i32
    %dma_start3A_141 = tpu.memref_slice %arg13[%dma_start3A_140] : memref<512xi32, #tpu.memory_space<vmem>> -> memref<128xi32, #tpu.memory_space<vmem>>
    %dma_start3A_142 = arith.constant 0 : i32
    %dma_start3A_143 = arith.constant 0 : i32
    %dma_start3A_144 = tpu.memref_slice %arg6[%dma_start3A_142, %dma_start3A_143] : memref<10000x32xf32, #tpu.memory_space<hbm>> -> memref<10000x32xf32, #tpu.memory_space<hbm>>
    tpu.enqueue_indirect_dma source(%dma_start3A_144 : memref<10000x32xf32, #tpu.memory_space<hbm>>) target(%dma_start3A_139 : memref<128x32xf32, #tpu.memory_space<vmem>>) offsets(%dma_start3A_141 : memref<128xi32, #tpu.memory_space<vmem>>) semaphore(%arg23 : memref<!tpu.dma_semaphore, #tpu.memory_space<semaphore_mem>>)
    tpu.wait_dma2 semaphore(%arg24 : memref<!tpu.dma_semaphore, #tpu.memory_space<semaphore_mem>>) src(%arg9 : memref<10000xi32, #tpu.memory_space<hbm>>) dst(%arg18 : memref<10000xi32, #tpu.memory_space<vmem>>)
    tpu.wait_dma2 semaphore(%arg24 : memref<!tpu.dma_semaphore, #tpu.memory_space<semaphore_mem>>) src(%arg7 : memref<100x32xf32, #tpu.memory_space<hbm>>) dst(%arg17 : memref<100x32xf32, #tpu.memory_space<vmem>>)
    %dma_wait3A_145 = arith.constant 0 : i32
    %dma_wait3A_146 = arith.constant 0 : i32
    %dma_wait3A_147 = tpu.memref_slice %arg14[%dma_wait3A_145, %dma_wait3A_146] : memref<512x32xf32, #tpu.memory_space<vmem>> -> memref<128x32xf32, #tpu.memory_space<vmem>>
    %dma_wait3A_148 = arith.constant 0 : i32
    %dma_wait3A_149 = tpu.memref_slice %arg11[%dma_wait3A_148] : memref<512xi32, #tpu.memory_space<vmem>> -> memref<128xi32, #tpu.memory_space<vmem>>
    %dma_wait3A_150 = arith.constant 0 : i32
    %dma_wait3A_151 = arith.constant 0 : i32
    %dma_wait3A_152 = tpu.memref_slice %arg4[%dma_wait3A_150, %dma_wait3A_151] : memref<1000000x32xf32, #tpu.memory_space<hbm>> -> memref<1000000x32xf32, #tpu.memory_space<hbm>>
    tpu.wait_indirect_dma semaphore(%arg20 : memref<!tpu.dma_semaphore, #tpu.memory_space<semaphore_mem>>) src(%dma_wait3A_152 : memref<1000000x32xf32, #tpu.memory_space<hbm>>) dst(%dma_wait3A_147 : memref<128x32xf32, #tpu.memory_space<vmem>>)
    %dma_wait3A_153 = arith.constant 128 : i32
    %dma_wait3A_154 = arith.constant 0 : i32
    %dma_wait3A_155 = tpu.memref_slice %arg14[%dma_wait3A_153, %dma_wait3A_154] : memref<512x32xf32, #tpu.memory_space<vmem>> -> memref<128x32xf32, #tpu.memory_space<vmem>>
    %dma_wait3A_156 = arith.constant 128 : i32
    %dma_wait3A_157 = tpu.memref_slice %arg11[%dma_wait3A_156] : memref<512xi32, #tpu.memory_space<vmem>> -> memref<128xi32, #tpu.memory_space<vmem>>
    %dma_wait3A_158 = arith.constant 0 : i32
    %dma_wait3A_159 = arith.constant 0 : i32
    %dma_wait3A_160 = tpu.memref_slice %arg4[%dma_wait3A_158, %dma_wait3A_159] : memref<1000000x32xf32, #tpu.memory_space<hbm>> -> memref<1000000x32xf32, #tpu.memory_space<hbm>>
    tpu.wait_indirect_dma semaphore(%arg20 : memref<!tpu.dma_semaphore, #tpu.memory_space<semaphore_mem>>) src(%dma_wait3A_160 : memref<1000000x32xf32, #tpu.memory_space<hbm>>) dst(%dma_wait3A_155 : memref<128x32xf32, #tpu.memory_space<vmem>>)
    %dma_wait3A_161 = arith.constant 256 : i32
    %dma_wait3A_162 = arith.constant 0 : i32
    %dma_wait3A_163 = tpu.memref_slice %arg14[%dma_wait3A_161, %dma_wait3A_162] : memref<512x32xf32, #tpu.memory_space<vmem>> -> memref<128x32xf32, #tpu.memory_space<vmem>>
    %dma_wait3A_164 = arith.constant 256 : i32
    %dma_wait3A_165 = tpu.memref_slice %arg11[%dma_wait3A_164] : memref<512xi32, #tpu.memory_space<vmem>> -> memref<128xi32, #tpu.memory_space<vmem>>
    %dma_wait3A_166 = arith.constant 0 : i32
    %dma_wait3A_167 = arith.constant 0 : i32
    %dma_wait3A_168 = tpu.memref_slice %arg4[%dma_wait3A_166, %dma_wait3A_167] : memref<1000000x32xf32, #tpu.memory_space<hbm>> -> memref<1000000x32xf32, #tpu.memory_space<hbm>>
    tpu.wait_indirect_dma semaphore(%arg20 : memref<!tpu.dma_semaphore, #tpu.memory_space<semaphore_mem>>) src(%dma_wait3A_168 : memref<1000000x32xf32, #tpu.memory_space<hbm>>) dst(%dma_wait3A_163 : memref<128x32xf32, #tpu.memory_space<vmem>>)
    %dma_wait3A_169 = arith.constant 384 : i32
    %dma_wait3A_170 = arith.constant 0 : i32
    %dma_wait3A_171 = tpu.memref_slice %arg14[%dma_wait3A_169, %dma_wait3A_170] : memref<512x32xf32, #tpu.memory_space<vmem>> -> memref<128x32xf32, #tpu.memory_space<vmem>>
    %dma_wait3A_172 = arith.constant 384 : i32
    %dma_wait3A_173 = tpu.memref_slice %arg11[%dma_wait3A_172] : memref<512xi32, #tpu.memory_space<vmem>> -> memref<128xi32, #tpu.memory_space<vmem>>
    %dma_wait3A_174 = arith.constant 0 : i32
    %dma_wait3A_175 = arith.constant 0 : i32
    %dma_wait3A_176 = tpu.memref_slice %arg4[%dma_wait3A_174, %dma_wait3A_175] : memref<1000000x32xf32, #tpu.memory_space<hbm>> -> memref<1000000x32xf32, #tpu.memory_space<hbm>>
    tpu.wait_indirect_dma semaphore(%arg20 : memref<!tpu.dma_semaphore, #tpu.memory_space<semaphore_mem>>) src(%dma_wait3A_176 : memref<1000000x32xf32, #tpu.memory_space<hbm>>) dst(%dma_wait3A_171 : memref<128x32xf32, #tpu.memory_space<vmem>>)
    %dma_wait3A_177 = arith.constant 0 : i32
    %dma_wait3A_178 = arith.constant 0 : i32
    %dma_wait3A_179 = tpu.memref_slice %arg15[%dma_wait3A_177, %dma_wait3A_178] : memref<512x32xf32, #tpu.memory_space<vmem>> -> memref<128x32xf32, #tpu.memory_space<vmem>>
    %dma_wait3A_180 = arith.constant 0 : i32
    %dma_wait3A_181 = tpu.memref_slice %arg12[%dma_wait3A_180] : memref<512xi32, #tpu.memory_space<vmem>> -> memref<128xi32, #tpu.memory_space<vmem>>
    %dma_wait3A_182 = arith.constant 0 : i32
    %dma_wait3A_183 = arith.constant 0 : i32
    %dma_wait3A_184 = tpu.memref_slice %arg5[%dma_wait3A_182, %dma_wait3A_183] : memref<1000000x32xf32, #tpu.memory_space<hbm>> -> memref<1000000x32xf32, #tpu.memory_space<hbm>>
    tpu.wait_indirect_dma semaphore(%arg21 : memref<!tpu.dma_semaphore, #tpu.memory_space<semaphore_mem>>) src(%dma_wait3A_184 : memref<1000000x32xf32, #tpu.memory_space<hbm>>) dst(%dma_wait3A_179 : memref<128x32xf32, #tpu.memory_space<vmem>>)
    %dma_wait3A_185 = arith.constant 128 : i32
    %dma_wait3A_186 = arith.constant 0 : i32
    %dma_wait3A_187 = tpu.memref_slice %arg15[%dma_wait3A_185, %dma_wait3A_186] : memref<512x32xf32, #tpu.memory_space<vmem>> -> memref<128x32xf32, #tpu.memory_space<vmem>>
    %dma_wait3A_188 = arith.constant 128 : i32
    %dma_wait3A_189 = tpu.memref_slice %arg12[%dma_wait3A_188] : memref<512xi32, #tpu.memory_space<vmem>> -> memref<128xi32, #tpu.memory_space<vmem>>
    %dma_wait3A_190 = arith.constant 0 : i32
    %dma_wait3A_191 = arith.constant 0 : i32
    %dma_wait3A_192 = tpu.memref_slice %arg5[%dma_wait3A_190, %dma_wait3A_191] : memref<1000000x32xf32, #tpu.memory_space<hbm>> -> memref<1000000x32xf32, #tpu.memory_space<hbm>>
    tpu.wait_indirect_dma semaphore(%arg21 : memref<!tpu.dma_semaphore, #tpu.memory_space<semaphore_mem>>) src(%dma_wait3A_192 : memref<1000000x32xf32, #tpu.memory_space<hbm>>) dst(%dma_wait3A_187 : memref<128x32xf32, #tpu.memory_space<vmem>>)
    %dma_wait3A_193 = arith.constant 256 : i32
    %dma_wait3A_194 = arith.constant 0 : i32
    %dma_wait3A_195 = tpu.memref_slice %arg15[%dma_wait3A_193, %dma_wait3A_194] : memref<512x32xf32, #tpu.memory_space<vmem>> -> memref<128x32xf32, #tpu.memory_space<vmem>>
    %dma_wait3A_196 = arith.constant 256 : i32
    %dma_wait3A_197 = tpu.memref_slice %arg12[%dma_wait3A_196] : memref<512xi32, #tpu.memory_space<vmem>> -> memref<128xi32, #tpu.memory_space<vmem>>
    %dma_wait3A_198 = arith.constant 0 : i32
    %dma_wait3A_199 = arith.constant 0 : i32
    %dma_wait3A_200 = tpu.memref_slice %arg5[%dma_wait3A_198, %dma_wait3A_199] : memref<1000000x32xf32, #tpu.memory_space<hbm>> -> memref<1000000x32xf32, #tpu.memory_space<hbm>>
    tpu.wait_indirect_dma semaphore(%arg21 : memref<!tpu.dma_semaphore, #tpu.memory_space<semaphore_mem>>) src(%dma_wait3A_200 : memref<1000000x32xf32, #tpu.memory_space<hbm>>) dst(%dma_wait3A_195 : memref<128x32xf32, #tpu.memory_space<vmem>>)
    %dma_wait3A_201 = arith.constant 384 : i32
    %dma_wait3A_202 = arith.constant 0 : i32
    %dma_wait3A_203 = tpu.memref_slice %arg15[%dma_wait3A_201, %dma_wait3A_202] : memref<512x32xf32, #tpu.memory_space<vmem>> -> memref<128x32xf32, #tpu.memory_space<vmem>>
    %dma_wait3A_204 = arith.constant 384 : i32
    %dma_wait3A_205 = tpu.memref_slice %arg12[%dma_wait3A_204] : memref<512xi32, #tpu.memory_space<vmem>> -> memref<128xi32, #tpu.memory_space<vmem>>
    %dma_wait3A_206 = arith.constant 0 : i32
    %dma_wait3A_207 = arith.constant 0 : i32
    %dma_wait3A_208 = tpu.memref_slice %arg5[%dma_wait3A_206, %dma_wait3A_207] : memref<1000000x32xf32, #tpu.memory_space<hbm>> -> memref<1000000x32xf32, #tpu.memory_space<hbm>>
    tpu.wait_indirect_dma semaphore(%arg21 : memref<!tpu.dma_semaphore, #tpu.memory_space<semaphore_mem>>) src(%dma_wait3A_208 : memref<1000000x32xf32, #tpu.memory_space<hbm>>) dst(%dma_wait3A_203 : memref<128x32xf32, #tpu.memory_space<vmem>>)
    %dma_wait3A_209 = arith.constant 0 : i32
    %dma_wait3A_210 = arith.constant 0 : i32
    %dma_wait3A_211 = tpu.memref_slice %arg16[%dma_wait3A_209, %dma_wait3A_210] : memref<512x32xf32, #tpu.memory_space<vmem>> -> memref<128x32xf32, #tpu.memory_space<vmem>>
    %dma_wait3A_212 = arith.constant 0 : i32
    %dma_wait3A_213 = tpu.memref_slice %arg13[%dma_wait3A_212] : memref<512xi32, #tpu.memory_space<vmem>> -> memref<128xi32, #tpu.memory_space<vmem>>
    %dma_wait3A_214 = arith.constant 0 : i32
    %dma_wait3A_215 = arith.constant 0 : i32
    %dma_wait3A_216 = tpu.memref_slice %arg6[%dma_wait3A_214, %dma_wait3A_215] : memref<10000x32xf32, #tpu.memory_space<hbm>> -> memref<10000x32xf32, #tpu.memory_space<hbm>>
    tpu.wait_indirect_dma semaphore(%arg23 : memref<!tpu.dma_semaphore, #tpu.memory_space<semaphore_mem>>) src(%dma_wait3A_216 : memref<10000x32xf32, #tpu.memory_space<hbm>>) dst(%dma_wait3A_211 : memref<128x32xf32, #tpu.memory_space<vmem>>)
    %dma_wait3A_217 = arith.constant 128 : i32
    %dma_wait3A_218 = arith.constant 0 : i32
    %dma_wait3A_219 = tpu.memref_slice %arg16[%dma_wait3A_217, %dma_wait3A_218] : memref<512x32xf32, #tpu.memory_space<vmem>> -> memref<128x32xf32, #tpu.memory_space<vmem>>
    %dma_wait3A_220 = arith.constant 128 : i32
    %dma_wait3A_221 = tpu.memref_slice %arg13[%dma_wait3A_220] : memref<512xi32, #tpu.memory_space<vmem>> -> memref<128xi32, #tpu.memory_space<vmem>>
    %dma_wait3A_222 = arith.constant 0 : i32
    %dma_wait3A_223 = arith.constant 0 : i32
    %dma_wait3A_224 = tpu.memref_slice %arg6[%dma_wait3A_222, %dma_wait3A_223] : memref<10000x32xf32, #tpu.memory_space<hbm>> -> memref<10000x32xf32, #tpu.memory_space<hbm>>
    tpu.wait_indirect_dma semaphore(%arg23 : memref<!tpu.dma_semaphore, #tpu.memory_space<semaphore_mem>>) src(%dma_wait3A_224 : memref<10000x32xf32, #tpu.memory_space<hbm>>) dst(%dma_wait3A_219 : memref<128x32xf32, #tpu.memory_space<vmem>>)
    %dma_wait3A_225 = arith.constant 256 : i32
    %dma_wait3A_226 = arith.constant 0 : i32
    %dma_wait3A_227 = tpu.memref_slice %arg16[%dma_wait3A_225, %dma_wait3A_226] : memref<512x32xf32, #tpu.memory_space<vmem>> -> memref<128x32xf32, #tpu.memory_space<vmem>>
    %dma_wait3A_228 = arith.constant 256 : i32
    %dma_wait3A_229 = tpu.memref_slice %arg13[%dma_wait3A_228] : memref<512xi32, #tpu.memory_space<vmem>> -> memref<128xi32, #tpu.memory_space<vmem>>
    %dma_wait3A_230 = arith.constant 0 : i32
    %dma_wait3A_231 = arith.constant 0 : i32
    %dma_wait3A_232 = tpu.memref_slice %arg6[%dma_wait3A_230, %dma_wait3A_231] : memref<10000x32xf32, #tpu.memory_space<hbm>> -> memref<10000x32xf32, #tpu.memory_space<hbm>>
    tpu.wait_indirect_dma semaphore(%arg23 : memref<!tpu.dma_semaphore, #tpu.memory_space<semaphore_mem>>) src(%dma_wait3A_232 : memref<10000x32xf32, #tpu.memory_space<hbm>>) dst(%dma_wait3A_227 : memref<128x32xf32, #tpu.memory_space<vmem>>)
    %dma_wait3A_233 = arith.constant 384 : i32
    %dma_wait3A_234 = arith.constant 0 : i32
    %dma_wait3A_235 = tpu.memref_slice %arg16[%dma_wait3A_233, %dma_wait3A_234] : memref<512x32xf32, #tpu.memory_space<vmem>> -> memref<128x32xf32, #tpu.memory_space<vmem>>
    %dma_wait3A_236 = arith.constant 384 : i32
    %dma_wait3A_237 = tpu.memref_slice %arg13[%dma_wait3A_236] : memref<512xi32, #tpu.memory_space<vmem>> -> memref<128xi32, #tpu.memory_space<vmem>>
    %dma_wait3A_238 = arith.constant 0 : i32
    %dma_wait3A_239 = arith.constant 0 : i32
    %dma_wait3A_240 = tpu.memref_slice %arg6[%dma_wait3A_238, %dma_wait3A_239] : memref<10000x32xf32, #tpu.memory_space<hbm>> -> memref<10000x32xf32, #tpu.memory_space<hbm>>
    tpu.wait_indirect_dma semaphore(%arg23 : memref<!tpu.dma_semaphore, #tpu.memory_space<semaphore_mem>>) src(%dma_wait3A_240 : memref<10000x32xf32, #tpu.memory_space<hbm>>) dst(%dma_wait3A_235 : memref<128x32xf32, #tpu.memory_space<vmem>>)
    %iota3A = tpu.iota {dimensions = array<i32: 0>} : vector<16xi32>
    %scan3A = arith.constant 0 : i32
    %scan3A_241 = arith.constant 0 : i32
    %scan3A_242 = arith.constant 32 : i32
    %scan3A_243 = arith.addi %scan3A_241, %scan3A_242 : i32
    %scan3A_244 = arith.constant 1 : i32
    scf.for %scan3A_246 = %scan3A_241 to %scan3A_243 step %scan3A_244  : i32 {
      %mul3A_247 = arith.constant 16 : i32
      %mul3A_248 = arith.muli %scan3A_246, %mul3A_247 : i32
      %add3A_249 = vector.broadcast %mul3A_248 : i32 to vector<16xi32>
      %add3A_250 = arith.addi %add3A_249, %iota3A : vector<16xi32>
      %gather3A = tpu.vector_load_idx %arg13[%add3A_250] : memref<512xi32, #tpu.memory_space<vmem>>[vector<16xi32>], vector<16xi32>,
      %gather3A_251 = tpu.vector_load_idx %arg18[%gather3A] : memref<10000xi32, #tpu.memory_space<vmem>>[vector<16xi32>], vector<16xi32>,
      %broadcast_in_dim3A = arith.constant 0.000000e+00 : f32
      %broadcast_in_dim3A_252 = vector.broadcast %broadcast_in_dim3A : f32 to vector<16xf32>
      %broadcast_in_dim3A_253 = arith.constant 0 : i32
      %broadcast_in_dim3A_254 = vector.broadcast %broadcast_in_dim3A_253 : i32 to vector<16xi32>
      %gather3A_255 = tpu.vector_load_idx %arg14[%add3A_250, %broadcast_in_dim3A_254] : memref<512x32xf32, #tpu.memory_space<vmem>>[vector<16xi32>, vector<16xi32>], vector<16xf32>,
      %gather3A_256 = tpu.vector_load_idx %arg15[%add3A_250, %broadcast_in_dim3A_254] : memref<512x32xf32, #tpu.memory_space<vmem>>[vector<16xi32>, vector<16xi32>], vector<16xf32>,
      %gather3A_257 = tpu.vector_load_idx %arg16[%add3A_250, %broadcast_in_dim3A_254] : memref<512x32xf32, #tpu.memory_space<vmem>>[vector<16xi32>, vector<16xi32>], vector<16xf32>,
      %add3A_258 = arith.addf %gather3A_256, %gather3A_257 : vector<16xf32>
      %gather3A_259 = tpu.vector_load_idx %arg17[%gather3A_251, %broadcast_in_dim3A_254] : memref<100x32xf32, #tpu.memory_space<vmem>>[vector<16xi32>, vector<16xi32>], vector<16xf32>,
      %add3A_260 = arith.addf %add3A_258, %gather3A_259 : vector<16xf32>
      %mul3A_261 = arith.mulf %gather3A_255, %add3A_260 : vector<16xf32>
      %add3A_262 = arith.addf %broadcast_in_dim3A_252, %mul3A_261 : vector<16xf32>
      %broadcast_in_dim3A_263 = arith.constant 1 : i32
      %broadcast_in_dim3A_264 = vector.broadcast %broadcast_in_dim3A_263 : i32 to vector<16xi32>
      %gather3A_265 = tpu.vector_load_idx %arg14[%add3A_250, %broadcast_in_dim3A_264] : memref<512x32xf32, #tpu.memory_space<vmem>>[vector<16xi32>, vector<16xi32>], vector<16xf32>,
      %gather3A_266 = tpu.vector_load_idx %arg15[%add3A_250, %broadcast_in_dim3A_264] : memref<512x32xf32, #tpu.memory_space<vmem>>[vector<16xi32>, vector<16xi32>], vector<16xf32>,
      %gather3A_267 = tpu.vector_load_idx %arg16[%add3A_250, %broadcast_in_dim3A_264] : memref<512x32xf32, #tpu.memory_space<vmem>>[vector<16xi32>, vector<16xi32>], vector<16xf32>,
      %add3A_268 = arith.addf %gather3A_266, %gather3A_267 : vector<16xf32>
      %gather3A_269 = tpu.vector_load_idx %arg17[%gather3A_251, %broadcast_in_dim3A_264] : memref<100x32xf32, #tpu.memory_space<vmem>>[vector<16xi32>, vector<16xi32>], vector<16xf32>,
      %add3A_270 = arith.addf %add3A_268, %gather3A_269 : vector<16xf32>
      %mul3A_271 = arith.mulf %gather3A_265, %add3A_270 : vector<16xf32>
      %add3A_272 = arith.addf %add3A_262, %mul3A_271 : vector<16xf32>
      %broadcast_in_dim3A_273 = arith.constant 2 : i32
      %broadcast_in_dim3A_274 = vector.broadcast %broadcast_in_dim3A_273 : i32 to vector<16xi32>
      %gather3A_275 = tpu.vector_load_idx %arg14[%add3A_250, %broadcast_in_dim3A_274] : memref<512x32xf32, #tpu.memory_space<vmem>>[vector<16xi32>, vector<16xi32>], vector<16xf32>,
      %gather3A_276 = tpu.vector_load_idx %arg15[%add3A_250, %broadcast_in_dim3A_274] : memref<512x32xf32, #tpu.memory_space<vmem>>[vector<16xi32>, vector<16xi32>], vector<16xf32>,
      %gather3A_277 = tpu.vector_load_idx %arg16[%add3A_250, %broadcast_in_dim3A_274] : memref<512x32xf32, #tpu.memory_space<vmem>>[vector<16xi32>, vector<16xi32>], vector<16xf32>,
      %add3A_278 = arith.addf %gather3A_276, %gather3A_277 : vector<16xf32>
      %gather3A_279 = tpu.vector_load_idx %arg17[%gather3A_251, %broadcast_in_dim3A_274] : memref<100x32xf32, #tpu.memory_space<vmem>>[vector<16xi32>, vector<16xi32>], vector<16xf32>,
      %add3A_280 = arith.addf %add3A_278, %gather3A_279 : vector<16xf32>
      %mul3A_281 = arith.mulf %gather3A_275, %add3A_280 : vector<16xf32>
      %add3A_282 = arith.addf %add3A_272, %mul3A_281 : vector<16xf32>
      %broadcast_in_dim3A_283 = arith.constant 3 : i32
      %broadcast_in_dim3A_284 = vector.broadcast %broadcast_in_dim3A_283 : i32 to vector<16xi32>
      %gather3A_285 = tpu.vector_load_idx %arg14[%add3A_250, %broadcast_in_dim3A_284] : memref<512x32xf32, #tpu.memory_space<vmem>>[vector<16xi32>, vector<16xi32>], vector<16xf32>,
      %gather3A_286 = tpu.vector_load_idx %arg15[%add3A_250, %broadcast_in_dim3A_284] : memref<512x32xf32, #tpu.memory_space<vmem>>[vector<16xi32>, vector<16xi32>], vector<16xf32>,
      %gather3A_287 = tpu.vector_load_idx %arg16[%add3A_250, %broadcast_in_dim3A_284] : memref<512x32xf32, #tpu.memory_space<vmem>>[vector<16xi32>, vector<16xi32>], vector<16xf32>,
      %add3A_288 = arith.addf %gather3A_286, %gather3A_287 : vector<16xf32>
      %gather3A_289 = tpu.vector_load_idx %arg17[%gather3A_251, %broadcast_in_dim3A_284] : memref<100x32xf32, #tpu.memory_space<vmem>>[vector<16xi32>, vector<16xi32>], vector<16xf32>,
      %add3A_290 = arith.addf %add3A_288, %gather3A_289 : vector<16xf32>
      %mul3A_291 = arith.mulf %gather3A_285, %add3A_290 : vector<16xf32>
      %add3A_292 = arith.addf %add3A_282, %mul3A_291 : vector<16xf32>
      %broadcast_in_dim3A_293 = arith.constant 4 : i32
      %broadcast_in_dim3A_294 = vector.broadcast %broadcast_in_dim3A_293 : i32 to vector<16xi32>
      %gather3A_295 = tpu.vector_load_idx %arg14[%add3A_250, %broadcast_in_dim3A_294] : memref<512x32xf32, #tpu.memory_space<vmem>>[vector<16xi32>, vector<16xi32>], vector<16xf32>,
      %gather3A_296 = tpu.vector_load_idx %arg15[%add3A_250, %broadcast_in_dim3A_294] : memref<512x32xf32, #tpu.memory_space<vmem>>[vector<16xi32>, vector<16xi32>], vector<16xf32>,
      %gather3A_297 = tpu.vector_load_idx %arg16[%add3A_250, %broadcast_in_dim3A_294] : memref<512x32xf32, #tpu.memory_space<vmem>>[vector<16xi32>, vector<16xi32>], vector<16xf32>,
      %add3A_298 = arith.addf %gather3A_296, %gather3A_297 : vector<16xf32>
      %gather3A_299 = tpu.vector_load_idx %arg17[%gather3A_251, %broadcast_in_dim3A_294] : memref<100x32xf32, #tpu.memory_space<vmem>>[vector<16xi32>, vector<16xi32>], vector<16xf32>,
      %add3A_300 = arith.addf %add3A_298, %gather3A_299 : vector<16xf32>
      %mul3A_301 = arith.mulf %gather3A_295, %add3A_300 : vector<16xf32>
      %add3A_302 = arith.addf %add3A_292, %mul3A_301 : vector<16xf32>
      %broadcast_in_dim3A_303 = arith.constant 5 : i32
      %broadcast_in_dim3A_304 = vector.broadcast %broadcast_in_dim3A_303 : i32 to vector<16xi32>
      %gather3A_305 = tpu.vector_load_idx %arg14[%add3A_250, %broadcast_in_dim3A_304] : memref<512x32xf32, #tpu.memory_space<vmem>>[vector<16xi32>, vector<16xi32>], vector<16xf32>,
      %gather3A_306 = tpu.vector_load_idx %arg15[%add3A_250, %broadcast_in_dim3A_304] : memref<512x32xf32, #tpu.memory_space<vmem>>[vector<16xi32>, vector<16xi32>], vector<16xf32>,
      %gather3A_307 = tpu.vector_load_idx %arg16[%add3A_250, %broadcast_in_dim3A_304] : memref<512x32xf32, #tpu.memory_space<vmem>>[vector<16xi32>, vector<16xi32>], vector<16xf32>,
      %add3A_308 = arith.addf %gather3A_306, %gather3A_307 : vector<16xf32>
      %gather3A_309 = tpu.vector_load_idx %arg17[%gather3A_251, %broadcast_in_dim3A_304] : memref<100x32xf32, #tpu.memory_space<vmem>>[vector<16xi32>, vector<16xi32>], vector<16xf32>,
      %add3A_310 = arith.addf %add3A_308, %gather3A_309 : vector<16xf32>
      %mul3A_311 = arith.mulf %gather3A_305, %add3A_310 : vector<16xf32>
      %add3A_312 = arith.addf %add3A_302, %mul3A_311 : vector<16xf32>
      %broadcast_in_dim3A_313 = arith.constant 6 : i32
      %broadcast_in_dim3A_314 = vector.broadcast %broadcast_in_dim3A_313 : i32 to vector<16xi32>
      %gather3A_315 = tpu.vector_load_idx %arg14[%add3A_250, %broadcast_in_dim3A_314] : memref<512x32xf32, #tpu.memory_space<vmem>>[vector<16xi32>, vector<16xi32>], vector<16xf32>,
      %gather3A_316 = tpu.vector_load_idx %arg15[%add3A_250, %broadcast_in_dim3A_314] : memref<512x32xf32, #tpu.memory_space<vmem>>[vector<16xi32>, vector<16xi32>], vector<16xf32>,
      %gather3A_317 = tpu.vector_load_idx %arg16[%add3A_250, %broadcast_in_dim3A_314] : memref<512x32xf32, #tpu.memory_space<vmem>>[vector<16xi32>, vector<16xi32>], vector<16xf32>,
      %add3A_318 = arith.addf %gather3A_316, %gather3A_317 : vector<16xf32>
      %gather3A_319 = tpu.vector_load_idx %arg17[%gather3A_251, %broadcast_in_dim3A_314] : memref<100x32xf32, #tpu.memory_space<vmem>>[vector<16xi32>, vector<16xi32>], vector<16xf32>,
      %add3A_320 = arith.addf %add3A_318, %gather3A_319 : vector<16xf32>
      %mul3A_321 = arith.mulf %gather3A_315, %add3A_320 : vector<16xf32>
      %add3A_322 = arith.addf %add3A_312, %mul3A_321 : vector<16xf32>
      %broadcast_in_dim3A_323 = arith.constant 7 : i32
      %broadcast_in_dim3A_324 = vector.broadcast %broadcast_in_dim3A_323 : i32 to vector<16xi32>
      %gather3A_325 = tpu.vector_load_idx %arg14[%add3A_250, %broadcast_in_dim3A_324] : memref<512x32xf32, #tpu.memory_space<vmem>>[vector<16xi32>, vector<16xi32>], vector<16xf32>,
      %gather3A_326 = tpu.vector_load_idx %arg15[%add3A_250, %broadcast_in_dim3A_324] : memref<512x32xf32, #tpu.memory_space<vmem>>[vector<16xi32>, vector<16xi32>], vector<16xf32>,
      %gather3A_327 = tpu.vector_load_idx %arg16[%add3A_250, %broadcast_in_dim3A_324] : memref<512x32xf32, #tpu.memory_space<vmem>>[vector<16xi32>, vector<16xi32>], vector<16xf32>,
      %add3A_328 = arith.addf %gather3A_326, %gather3A_327 : vector<16xf32>
      %gather3A_329 = tpu.vector_load_idx %arg17[%gather3A_251, %broadcast_in_dim3A_324] : memref<100x32xf32, #tpu.memory_space<vmem>>[vector<16xi32>, vector<16xi32>], vector<16xf32>,
      %add3A_330 = arith.addf %add3A_328, %gather3A_329 : vector<16xf32>
      %mul3A_331 = arith.mulf %gather3A_325, %add3A_330 : vector<16xf32>
      %add3A_332 = arith.addf %add3A_322, %mul3A_331 : vector<16xf32>
      %broadcast_in_dim3A_333 = arith.constant 8 : i32
      %broadcast_in_dim3A_334 = vector.broadcast %broadcast_in_dim3A_333 : i32 to vector<16xi32>
      %gather3A_335 = tpu.vector_load_idx %arg14[%add3A_250, %broadcast_in_dim3A_334] : memref<512x32xf32, #tpu.memory_space<vmem>>[vector<16xi32>, vector<16xi32>], vector<16xf32>,
      %gather3A_336 = tpu.vector_load_idx %arg15[%add3A_250, %broadcast_in_dim3A_334] : memref<512x32xf32, #tpu.memory_space<vmem>>[vector<16xi32>, vector<16xi32>], vector<16xf32>,
      %gather3A_337 = tpu.vector_load_idx %arg16[%add3A_250, %broadcast_in_dim3A_334] : memref<512x32xf32, #tpu.memory_space<vmem>>[vector<16xi32>, vector<16xi32>], vector<16xf32>,
      %add3A_338 = arith.addf %gather3A_336, %gather3A_337 : vector<16xf32>
      %gather3A_339 = tpu.vector_load_idx %arg17[%gather3A_251, %broadcast_in_dim3A_334] : memref<100x32xf32, #tpu.memory_space<vmem>>[vector<16xi32>, vector<16xi32>], vector<16xf32>,
      %add3A_340 = arith.addf %add3A_338, %gather3A_339 : vector<16xf32>
      %mul3A_341 = arith.mulf %gather3A_335, %add3A_340 : vector<16xf32>
      %add3A_342 = arith.addf %add3A_332, %mul3A_341 : vector<16xf32>
      %broadcast_in_dim3A_343 = arith.constant 9 : i32
      %broadcast_in_dim3A_344 = vector.broadcast %broadcast_in_dim3A_343 : i32 to vector<16xi32>
      %gather3A_345 = tpu.vector_load_idx %arg14[%add3A_250, %broadcast_in_dim3A_344] : memref<512x32xf32, #tpu.memory_space<vmem>>[vector<16xi32>, vector<16xi32>], vector<16xf32>,
      %gather3A_346 = tpu.vector_load_idx %arg15[%add3A_250, %broadcast_in_dim3A_344] : memref<512x32xf32, #tpu.memory_space<vmem>>[vector<16xi32>, vector<16xi32>], vector<16xf32>,
      %gather3A_347 = tpu.vector_load_idx %arg16[%add3A_250, %broadcast_in_dim3A_344] : memref<512x32xf32, #tpu.memory_space<vmem>>[vector<16xi32>, vector<16xi32>], vector<16xf32>,
      %add3A_348 = arith.addf %gather3A_346, %gather3A_347 : vector<16xf32>
      %gather3A_349 = tpu.vector_load_idx %arg17[%gather3A_251, %broadcast_in_dim3A_344] : memref<100x32xf32, #tpu.memory_space<vmem>>[vector<16xi32>, vector<16xi32>], vector<16xf32>,
      %add3A_350 = arith.addf %add3A_348, %gather3A_349 : vector<16xf32>
      %mul3A_351 = arith.mulf %gather3A_345, %add3A_350 : vector<16xf32>
      %add3A_352 = arith.addf %add3A_342, %mul3A_351 : vector<16xf32>
      %broadcast_in_dim3A_353 = arith.constant 10 : i32
      %broadcast_in_dim3A_354 = vector.broadcast %broadcast_in_dim3A_353 : i32 to vector<16xi32>
      %gather3A_355 = tpu.vector_load_idx %arg14[%add3A_250, %broadcast_in_dim3A_354] : memref<512x32xf32, #tpu.memory_space<vmem>>[vector<16xi32>, vector<16xi32>], vector<16xf32>,
      %gather3A_356 = tpu.vector_load_idx %arg15[%add3A_250, %broadcast_in_dim3A_354] : memref<512x32xf32, #tpu.memory_space<vmem>>[vector<16xi32>, vector<16xi32>], vector<16xf32>,
      %gather3A_357 = tpu.vector_load_idx %arg16[%add3A_250, %broadcast_in_dim3A_354] : memref<512x32xf32, #tpu.memory_space<vmem>>[vector<16xi32>, vector<16xi32>], vector<16xf32>,
      %add3A_358 = arith.addf %gather3A_356, %gather3A_357 : vector<16xf32>
      %gather3A_359 = tpu.vector_load_idx %arg17[%gather3A_251, %broadcast_in_dim3A_354] : memref<100x32xf32, #tpu.memory_space<vmem>>[vector<16xi32>, vector<16xi32>], vector<16xf32>,
      %add3A_360 = arith.addf %add3A_358, %gather3A_359 : vector<16xf32>
      %mul3A_361 = arith.mulf %gather3A_355, %add3A_360 : vector<16xf32>
      %add3A_362 = arith.addf %add3A_352, %mul3A_361 : vector<16xf32>
      %broadcast_in_dim3A_363 = arith.constant 11 : i32
      %broadcast_in_dim3A_364 = vector.broadcast %broadcast_in_dim3A_363 : i32 to vector<16xi32>
      %gather3A_365 = tpu.vector_load_idx %arg14[%add3A_250, %broadcast_in_dim3A_364] : memref<512x32xf32, #tpu.memory_space<vmem>>[vector<16xi32>, vector<16xi32>], vector<16xf32>,
      %gather3A_366 = tpu.vector_load_idx %arg15[%add3A_250, %broadcast_in_dim3A_364] : memref<512x32xf32, #tpu.memory_space<vmem>>[vector<16xi32>, vector<16xi32>], vector<16xf32>,
      %gather3A_367 = tpu.vector_load_idx %arg16[%add3A_250, %broadcast_in_dim3A_364] : memref<512x32xf32, #tpu.memory_space<vmem>>[vector<16xi32>, vector<16xi32>], vector<16xf32>,
      %add3A_368 = arith.addf %gather3A_366, %gather3A_367 : vector<16xf32>
      %gather3A_369 = tpu.vector_load_idx %arg17[%gather3A_251, %broadcast_in_dim3A_364] : memref<100x32xf32, #tpu.memory_space<vmem>>[vector<16xi32>, vector<16xi32>], vector<16xf32>,
      %add3A_370 = arith.addf %add3A_368, %gather3A_369 : vector<16xf32>
      %mul3A_371 = arith.mulf %gather3A_365, %add3A_370 : vector<16xf32>
      %add3A_372 = arith.addf %add3A_362, %mul3A_371 : vector<16xf32>
      %broadcast_in_dim3A_373 = arith.constant 12 : i32
      %broadcast_in_dim3A_374 = vector.broadcast %broadcast_in_dim3A_373 : i32 to vector<16xi32>
      %gather3A_375 = tpu.vector_load_idx %arg14[%add3A_250, %broadcast_in_dim3A_374] : memref<512x32xf32, #tpu.memory_space<vmem>>[vector<16xi32>, vector<16xi32>], vector<16xf32>,
      %gather3A_376 = tpu.vector_load_idx %arg15[%add3A_250, %broadcast_in_dim3A_374] : memref<512x32xf32, #tpu.memory_space<vmem>>[vector<16xi32>, vector<16xi32>], vector<16xf32>,
      %gather3A_377 = tpu.vector_load_idx %arg16[%add3A_250, %broadcast_in_dim3A_374] : memref<512x32xf32, #tpu.memory_space<vmem>>[vector<16xi32>, vector<16xi32>], vector<16xf32>,
      %add3A_378 = arith.addf %gather3A_376, %gather3A_377 : vector<16xf32>
      %gather3A_379 = tpu.vector_load_idx %arg17[%gather3A_251, %broadcast_in_dim3A_374] : memref<100x32xf32, #tpu.memory_space<vmem>>[vector<16xi32>, vector<16xi32>], vector<16xf32>,
      %add3A_380 = arith.addf %add3A_378, %gather3A_379 : vector<16xf32>
      %mul3A_381 = arith.mulf %gather3A_375, %add3A_380 : vector<16xf32>
      %add3A_382 = arith.addf %add3A_372, %mul3A_381 : vector<16xf32>
      %broadcast_in_dim3A_383 = arith.constant 13 : i32
      %broadcast_in_dim3A_384 = vector.broadcast %broadcast_in_dim3A_383 : i32 to vector<16xi32>
      %gather3A_385 = tpu.vector_load_idx %arg14[%add3A_250, %broadcast_in_dim3A_384] : memref<512x32xf32, #tpu.memory_space<vmem>>[vector<16xi32>, vector<16xi32>], vector<16xf32>,
      %gather3A_386 = tpu.vector_load_idx %arg15[%add3A_250, %broadcast_in_dim3A_384] : memref<512x32xf32, #tpu.memory_space<vmem>>[vector<16xi32>, vector<16xi32>], vector<16xf32>,
      %gather3A_387 = tpu.vector_load_idx %arg16[%add3A_250, %broadcast_in_dim3A_384] : memref<512x32xf32, #tpu.memory_space<vmem>>[vector<16xi32>, vector<16xi32>], vector<16xf32>,
      %add3A_388 = arith.addf %gather3A_386, %gather3A_387 : vector<16xf32>
      %gather3A_389 = tpu.vector_load_idx %arg17[%gather3A_251, %broadcast_in_dim3A_384] : memref<100x32xf32, #tpu.memory_space<vmem>>[vector<16xi32>, vector<16xi32>], vector<16xf32>,
      %add3A_390 = arith.addf %add3A_388, %gather3A_389 : vector<16xf32>
      %mul3A_391 = arith.mulf %gather3A_385, %add3A_390 : vector<16xf32>
      %add3A_392 = arith.addf %add3A_382, %mul3A_391 : vector<16xf32>
      %broadcast_in_dim3A_393 = arith.constant 14 : i32
      %broadcast_in_dim3A_394 = vector.broadcast %broadcast_in_dim3A_393 : i32 to vector<16xi32>
      %gather3A_395 = tpu.vector_load_idx %arg14[%add3A_250, %broadcast_in_dim3A_394] : memref<512x32xf32, #tpu.memory_space<vmem>>[vector<16xi32>, vector<16xi32>], vector<16xf32>,
      %gather3A_396 = tpu.vector_load_idx %arg15[%add3A_250, %broadcast_in_dim3A_394] : memref<512x32xf32, #tpu.memory_space<vmem>>[vector<16xi32>, vector<16xi32>], vector<16xf32>,
      %gather3A_397 = tpu.vector_load_idx %arg16[%add3A_250, %broadcast_in_dim3A_394] : memref<512x32xf32, #tpu.memory_space<vmem>>[vector<16xi32>, vector<16xi32>], vector<16xf32>,
      %add3A_398 = arith.addf %gather3A_396, %gather3A_397 : vector<16xf32>
      %gather3A_399 = tpu.vector_load_idx %arg17[%gather3A_251, %broadcast_in_dim3A_394] : memref<100x32xf32, #tpu.memory_space<vmem>>[vector<16xi32>, vector<16xi32>], vector<16xf32>,
      %add3A_400 = arith.addf %add3A_398, %gather3A_399 : vector<16xf32>
      %mul3A_401 = arith.mulf %gather3A_395, %add3A_400 : vector<16xf32>
      %add3A_402 = arith.addf %add3A_392, %mul3A_401 : vector<16xf32>
      %broadcast_in_dim3A_403 = arith.constant 15 : i32
      %broadcast_in_dim3A_404 = vector.broadcast %broadcast_in_dim3A_403 : i32 to vector<16xi32>
      %gather3A_405 = tpu.vector_load_idx %arg14[%add3A_250, %broadcast_in_dim3A_404] : memref<512x32xf32, #tpu.memory_space<vmem>>[vector<16xi32>, vector<16xi32>], vector<16xf32>,
      %gather3A_406 = tpu.vector_load_idx %arg15[%add3A_250, %broadcast_in_dim3A_404] : memref<512x32xf32, #tpu.memory_space<vmem>>[vector<16xi32>, vector<16xi32>], vector<16xf32>,
      %gather3A_407 = tpu.vector_load_idx %arg16[%add3A_250, %broadcast_in_dim3A_404] : memref<512x32xf32, #tpu.memory_space<vmem>>[vector<16xi32>, vector<16xi32>], vector<16xf32>,
      %add3A_408 = arith.addf %gather3A_406, %gather3A_407 : vector<16xf32>
      %gather3A_409 = tpu.vector_load_idx %arg17[%gather3A_251, %broadcast_in_dim3A_404] : memref<100x32xf32, #tpu.memory_space<vmem>>[vector<16xi32>, vector<16xi32>], vector<16xf32>,
      %add3A_410 = arith.addf %add3A_408, %gather3A_409 : vector<16xf32>
      %mul3A_411 = arith.mulf %gather3A_405, %add3A_410 : vector<16xf32>
      %add3A_412 = arith.addf %add3A_402, %mul3A_411 : vector<16xf32>
      %broadcast_in_dim3A_413 = arith.constant 16 : i32
      %broadcast_in_dim3A_414 = vector.broadcast %broadcast_in_dim3A_413 : i32 to vector<16xi32>
      %gather3A_415 = tpu.vector_load_idx %arg14[%add3A_250, %broadcast_in_dim3A_414] : memref<512x32xf32, #tpu.memory_space<vmem>>[vector<16xi32>, vector<16xi32>], vector<16xf32>,
      %gather3A_416 = tpu.vector_load_idx %arg15[%add3A_250, %broadcast_in_dim3A_414] : memref<512x32xf32, #tpu.memory_space<vmem>>[vector<16xi32>, vector<16xi32>], vector<16xf32>,
      %gather3A_417 = tpu.vector_load_idx %arg16[%add3A_250, %broadcast_in_dim3A_414] : memref<512x32xf32, #tpu.memory_space<vmem>>[vector<16xi32>, vector<16xi32>], vector<16xf32>,
      %add3A_418 = arith.addf %gather3A_416, %gather3A_417 : vector<16xf32>
      %gather3A_419 = tpu.vector_load_idx %arg17[%gather3A_251, %broadcast_in_dim3A_414] : memref<100x32xf32, #tpu.memory_space<vmem>>[vector<16xi32>, vector<16xi32>], vector<16xf32>,
      %add3A_420 = arith.addf %add3A_418, %gather3A_419 : vector<16xf32>
      %mul3A_421 = arith.mulf %gather3A_415, %add3A_420 : vector<16xf32>
      %add3A_422 = arith.addf %add3A_412, %mul3A_421 : vector<16xf32>
      %broadcast_in_dim3A_423 = arith.constant 17 : i32
      %broadcast_in_dim3A_424 = vector.broadcast %broadcast_in_dim3A_423 : i32 to vector<16xi32>
      %gather3A_425 = tpu.vector_load_idx %arg14[%add3A_250, %broadcast_in_dim3A_424] : memref<512x32xf32, #tpu.memory_space<vmem>>[vector<16xi32>, vector<16xi32>], vector<16xf32>,
      %gather3A_426 = tpu.vector_load_idx %arg15[%add3A_250, %broadcast_in_dim3A_424] : memref<512x32xf32, #tpu.memory_space<vmem>>[vector<16xi32>, vector<16xi32>], vector<16xf32>,
      %gather3A_427 = tpu.vector_load_idx %arg16[%add3A_250, %broadcast_in_dim3A_424] : memref<512x32xf32, #tpu.memory_space<vmem>>[vector<16xi32>, vector<16xi32>], vector<16xf32>,
      %add3A_428 = arith.addf %gather3A_426, %gather3A_427 : vector<16xf32>
      %gather3A_429 = tpu.vector_load_idx %arg17[%gather3A_251, %broadcast_in_dim3A_424] : memref<100x32xf32, #tpu.memory_space<vmem>>[vector<16xi32>, vector<16xi32>], vector<16xf32>,
      %add3A_430 = arith.addf %add3A_428, %gather3A_429 : vector<16xf32>
      %mul3A_431 = arith.mulf %gather3A_425, %add3A_430 : vector<16xf32>
      %add3A_432 = arith.addf %add3A_422, %mul3A_431 : vector<16xf32>
      %broadcast_in_dim3A_433 = arith.constant 18 : i32
      %broadcast_in_dim3A_434 = vector.broadcast %broadcast_in_dim3A_433 : i32 to vector<16xi32>
      %gather3A_435 = tpu.vector_load_idx %arg14[%add3A_250, %broadcast_in_dim3A_434] : memref<512x32xf32, #tpu.memory_space<vmem>>[vector<16xi32>, vector<16xi32>], vector<16xf32>,
      %gather3A_436 = tpu.vector_load_idx %arg15[%add3A_250, %broadcast_in_dim3A_434] : memref<512x32xf32, #tpu.memory_space<vmem>>[vector<16xi32>, vector<16xi32>], vector<16xf32>,
      %gather3A_437 = tpu.vector_load_idx %arg16[%add3A_250, %broadcast_in_dim3A_434] : memref<512x32xf32, #tpu.memory_space<vmem>>[vector<16xi32>, vector<16xi32>], vector<16xf32>,
      %add3A_438 = arith.addf %gather3A_436, %gather3A_437 : vector<16xf32>
      %gather3A_439 = tpu.vector_load_idx %arg17[%gather3A_251, %broadcast_in_dim3A_434] : memref<100x32xf32, #tpu.memory_space<vmem>>[vector<16xi32>, vector<16xi32>], vector<16xf32>,
      %add3A_440 = arith.addf %add3A_438, %gather3A_439 : vector<16xf32>
      %mul3A_441 = arith.mulf %gather3A_435, %add3A_440 : vector<16xf32>
      %add3A_442 = arith.addf %add3A_432, %mul3A_441 : vector<16xf32>
      %broadcast_in_dim3A_443 = arith.constant 19 : i32
      %broadcast_in_dim3A_444 = vector.broadcast %broadcast_in_dim3A_443 : i32 to vector<16xi32>
      %gather3A_445 = tpu.vector_load_idx %arg14[%add3A_250, %broadcast_in_dim3A_444] : memref<512x32xf32, #tpu.memory_space<vmem>>[vector<16xi32>, vector<16xi32>], vector<16xf32>,
      %gather3A_446 = tpu.vector_load_idx %arg15[%add3A_250, %broadcast_in_dim3A_444] : memref<512x32xf32, #tpu.memory_space<vmem>>[vector<16xi32>, vector<16xi32>], vector<16xf32>,
      %gather3A_447 = tpu.vector_load_idx %arg16[%add3A_250, %broadcast_in_dim3A_444] : memref<512x32xf32, #tpu.memory_space<vmem>>[vector<16xi32>, vector<16xi32>], vector<16xf32>,
      %add3A_448 = arith.addf %gather3A_446, %gather3A_447 : vector<16xf32>
      %gather3A_449 = tpu.vector_load_idx %arg17[%gather3A_251, %broadcast_in_dim3A_444] : memref<100x32xf32, #tpu.memory_space<vmem>>[vector<16xi32>, vector<16xi32>], vector<16xf32>,
      %add3A_450 = arith.addf %add3A_448, %gather3A_449 : vector<16xf32>
      %mul3A_451 = arith.mulf %gather3A_445, %add3A_450 : vector<16xf32>
      %add3A_452 = arith.addf %add3A_442, %mul3A_451 : vector<16xf32>
      %broadcast_in_dim3A_453 = arith.constant 20 : i32
      %broadcast_in_dim3A_454 = vector.broadcast %broadcast_in_dim3A_453 : i32 to vector<16xi32>
      %gather3A_455 = tpu.vector_load_idx %arg14[%add3A_250, %broadcast_in_dim3A_454] : memref<512x32xf32, #tpu.memory_space<vmem>>[vector<16xi32>, vector<16xi32>], vector<16xf32>,
      %gather3A_456 = tpu.vector_load_idx %arg15[%add3A_250, %broadcast_in_dim3A_454] : memref<512x32xf32, #tpu.memory_space<vmem>>[vector<16xi32>, vector<16xi32>], vector<16xf32>,
      %gather3A_457 = tpu.vector_load_idx %arg16[%add3A_250, %broadcast_in_dim3A_454] : memref<512x32xf32, #tpu.memory_space<vmem>>[vector<16xi32>, vector<16xi32>], vector<16xf32>,
      %add3A_458 = arith.addf %gather3A_456, %gather3A_457 : vector<16xf32>
      %gather3A_459 = tpu.vector_load_idx %arg17[%gather3A_251, %broadcast_in_dim3A_454] : memref<100x32xf32, #tpu.memory_space<vmem>>[vector<16xi32>, vector<16xi32>], vector<16xf32>,
      %add3A_460 = arith.addf %add3A_458, %gather3A_459 : vector<16xf32>
      %mul3A_461 = arith.mulf %gather3A_455, %add3A_460 : vector<16xf32>
      %add3A_462 = arith.addf %add3A_452, %mul3A_461 : vector<16xf32>
      %broadcast_in_dim3A_463 = arith.constant 21 : i32
      %broadcast_in_dim3A_464 = vector.broadcast %broadcast_in_dim3A_463 : i32 to vector<16xi32>
      %gather3A_465 = tpu.vector_load_idx %arg14[%add3A_250, %broadcast_in_dim3A_464] : memref<512x32xf32, #tpu.memory_space<vmem>>[vector<16xi32>, vector<16xi32>], vector<16xf32>,
      %gather3A_466 = tpu.vector_load_idx %arg15[%add3A_250, %broadcast_in_dim3A_464] : memref<512x32xf32, #tpu.memory_space<vmem>>[vector<16xi32>, vector<16xi32>], vector<16xf32>,
      %gather3A_467 = tpu.vector_load_idx %arg16[%add3A_250, %broadcast_in_dim3A_464] : memref<512x32xf32, #tpu.memory_space<vmem>>[vector<16xi32>, vector<16xi32>], vector<16xf32>,
      %add3A_468 = arith.addf %gather3A_466, %gather3A_467 : vector<16xf32>
      %gather3A_469 = tpu.vector_load_idx %arg17[%gather3A_251, %broadcast_in_dim3A_464] : memref<100x32xf32, #tpu.memory_space<vmem>>[vector<16xi32>, vector<16xi32>], vector<16xf32>,
      %add3A_470 = arith.addf %add3A_468, %gather3A_469 : vector<16xf32>
      %mul3A_471 = arith.mulf %gather3A_465, %add3A_470 : vector<16xf32>
      %add3A_472 = arith.addf %add3A_462, %mul3A_471 : vector<16xf32>
      %broadcast_in_dim3A_473 = arith.constant 22 : i32
      %broadcast_in_dim3A_474 = vector.broadcast %broadcast_in_dim3A_473 : i32 to vector<16xi32>
      %gather3A_475 = tpu.vector_load_idx %arg14[%add3A_250, %broadcast_in_dim3A_474] : memref<512x32xf32, #tpu.memory_space<vmem>>[vector<16xi32>, vector<16xi32>], vector<16xf32>,
      %gather3A_476 = tpu.vector_load_idx %arg15[%add3A_250, %broadcast_in_dim3A_474] : memref<512x32xf32, #tpu.memory_space<vmem>>[vector<16xi32>, vector<16xi32>], vector<16xf32>,
      %gather3A_477 = tpu.vector_load_idx %arg16[%add3A_250, %broadcast_in_dim3A_474] : memref<512x32xf32, #tpu.memory_space<vmem>>[vector<16xi32>, vector<16xi32>], vector<16xf32>,
      %add3A_478 = arith.addf %gather3A_476, %gather3A_477 : vector<16xf32>
      %gather3A_479 = tpu.vector_load_idx %arg17[%gather3A_251, %broadcast_in_dim3A_474] : memref<100x32xf32, #tpu.memory_space<vmem>>[vector<16xi32>, vector<16xi32>], vector<16xf32>,
      %add3A_480 = arith.addf %add3A_478, %gather3A_479 : vector<16xf32>
      %mul3A_481 = arith.mulf %gather3A_475, %add3A_480 : vector<16xf32>
      %add3A_482 = arith.addf %add3A_472, %mul3A_481 : vector<16xf32>
      %broadcast_in_dim3A_483 = arith.constant 23 : i32
      %broadcast_in_dim3A_484 = vector.broadcast %broadcast_in_dim3A_483 : i32 to vector<16xi32>
      %gather3A_485 = tpu.vector_load_idx %arg14[%add3A_250, %broadcast_in_dim3A_484] : memref<512x32xf32, #tpu.memory_space<vmem>>[vector<16xi32>, vector<16xi32>], vector<16xf32>,
      %gather3A_486 = tpu.vector_load_idx %arg15[%add3A_250, %broadcast_in_dim3A_484] : memref<512x32xf32, #tpu.memory_space<vmem>>[vector<16xi32>, vector<16xi32>], vector<16xf32>,
      %gather3A_487 = tpu.vector_load_idx %arg16[%add3A_250, %broadcast_in_dim3A_484] : memref<512x32xf32, #tpu.memory_space<vmem>>[vector<16xi32>, vector<16xi32>], vector<16xf32>,
      %add3A_488 = arith.addf %gather3A_486, %gather3A_487 : vector<16xf32>
      %gather3A_489 = tpu.vector_load_idx %arg17[%gather3A_251, %broadcast_in_dim3A_484] : memref<100x32xf32, #tpu.memory_space<vmem>>[vector<16xi32>, vector<16xi32>], vector<16xf32>,
      %add3A_490 = arith.addf %add3A_488, %gather3A_489 : vector<16xf32>
      %mul3A_491 = arith.mulf %gather3A_485, %add3A_490 : vector<16xf32>
      %add3A_492 = arith.addf %add3A_482, %mul3A_491 : vector<16xf32>
      %broadcast_in_dim3A_493 = arith.constant 24 : i32
      %broadcast_in_dim3A_494 = vector.broadcast %broadcast_in_dim3A_493 : i32 to vector<16xi32>
      %gather3A_495 = tpu.vector_load_idx %arg14[%add3A_250, %broadcast_in_dim3A_494] : memref<512x32xf32, #tpu.memory_space<vmem>>[vector<16xi32>, vector<16xi32>], vector<16xf32>,
      %gather3A_496 = tpu.vector_load_idx %arg15[%add3A_250, %broadcast_in_dim3A_494] : memref<512x32xf32, #tpu.memory_space<vmem>>[vector<16xi32>, vector<16xi32>], vector<16xf32>,
      %gather3A_497 = tpu.vector_load_idx %arg16[%add3A_250, %broadcast_in_dim3A_494] : memref<512x32xf32, #tpu.memory_space<vmem>>[vector<16xi32>, vector<16xi32>], vector<16xf32>,
      %add3A_498 = arith.addf %gather3A_496, %gather3A_497 : vector<16xf32>
      %gather3A_499 = tpu.vector_load_idx %arg17[%gather3A_251, %broadcast_in_dim3A_494] : memref<100x32xf32, #tpu.memory_space<vmem>>[vector<16xi32>, vector<16xi32>], vector<16xf32>,
      %add3A_500 = arith.addf %add3A_498, %gather3A_499 : vector<16xf32>
      %mul3A_501 = arith.mulf %gather3A_495, %add3A_500 : vector<16xf32>
      %add3A_502 = arith.addf %add3A_492, %mul3A_501 : vector<16xf32>
      %broadcast_in_dim3A_503 = arith.constant 25 : i32
      %broadcast_in_dim3A_504 = vector.broadcast %broadcast_in_dim3A_503 : i32 to vector<16xi32>
      %gather3A_505 = tpu.vector_load_idx %arg14[%add3A_250, %broadcast_in_dim3A_504] : memref<512x32xf32, #tpu.memory_space<vmem>>[vector<16xi32>, vector<16xi32>], vector<16xf32>,
      %gather3A_506 = tpu.vector_load_idx %arg15[%add3A_250, %broadcast_in_dim3A_504] : memref<512x32xf32, #tpu.memory_space<vmem>>[vector<16xi32>, vector<16xi32>], vector<16xf32>,
      %gather3A_507 = tpu.vector_load_idx %arg16[%add3A_250, %broadcast_in_dim3A_504] : memref<512x32xf32, #tpu.memory_space<vmem>>[vector<16xi32>, vector<16xi32>], vector<16xf32>,
      %add3A_508 = arith.addf %gather3A_506, %gather3A_507 : vector<16xf32>
      %gather3A_509 = tpu.vector_load_idx %arg17[%gather3A_251, %broadcast_in_dim3A_504] : memref<100x32xf32, #tpu.memory_space<vmem>>[vector<16xi32>, vector<16xi32>], vector<16xf32>,
      %add3A_510 = arith.addf %add3A_508, %gather3A_509 : vector<16xf32>
      %mul3A_511 = arith.mulf %gather3A_505, %add3A_510 : vector<16xf32>
      %add3A_512 = arith.addf %add3A_502, %mul3A_511 : vector<16xf32>
      %broadcast_in_dim3A_513 = arith.constant 26 : i32
      %broadcast_in_dim3A_514 = vector.broadcast %broadcast_in_dim3A_513 : i32 to vector<16xi32>
      %gather3A_515 = tpu.vector_load_idx %arg14[%add3A_250, %broadcast_in_dim3A_514] : memref<512x32xf32, #tpu.memory_space<vmem>>[vector<16xi32>, vector<16xi32>], vector<16xf32>,
      %gather3A_516 = tpu.vector_load_idx %arg15[%add3A_250, %broadcast_in_dim3A_514] : memref<512x32xf32, #tpu.memory_space<vmem>>[vector<16xi32>, vector<16xi32>], vector<16xf32>,
      %gather3A_517 = tpu.vector_load_idx %arg16[%add3A_250, %broadcast_in_dim3A_514] : memref<512x32xf32, #tpu.memory_space<vmem>>[vector<16xi32>, vector<16xi32>], vector<16xf32>,
      %add3A_518 = arith.addf %gather3A_516, %gather3A_517 : vector<16xf32>
      %gather3A_519 = tpu.vector_load_idx %arg17[%gather3A_251, %broadcast_in_dim3A_514] : memref<100x32xf32, #tpu.memory_space<vmem>>[vector<16xi32>, vector<16xi32>], vector<16xf32>,
      %add3A_520 = arith.addf %add3A_518, %gather3A_519 : vector<16xf32>
      %mul3A_521 = arith.mulf %gather3A_515, %add3A_520 : vector<16xf32>
      %add3A_522 = arith.addf %add3A_512, %mul3A_521 : vector<16xf32>
      %broadcast_in_dim3A_523 = arith.constant 27 : i32
      %broadcast_in_dim3A_524 = vector.broadcast %broadcast_in_dim3A_523 : i32 to vector<16xi32>
      %gather3A_525 = tpu.vector_load_idx %arg14[%add3A_250, %broadcast_in_dim3A_524] : memref<512x32xf32, #tpu.memory_space<vmem>>[vector<16xi32>, vector<16xi32>], vector<16xf32>,
      %gather3A_526 = tpu.vector_load_idx %arg15[%add3A_250, %broadcast_in_dim3A_524] : memref<512x32xf32, #tpu.memory_space<vmem>>[vector<16xi32>, vector<16xi32>], vector<16xf32>,
      %gather3A_527 = tpu.vector_load_idx %arg16[%add3A_250, %broadcast_in_dim3A_524] : memref<512x32xf32, #tpu.memory_space<vmem>>[vector<16xi32>, vector<16xi32>], vector<16xf32>,
      %add3A_528 = arith.addf %gather3A_526, %gather3A_527 : vector<16xf32>
      %gather3A_529 = tpu.vector_load_idx %arg17[%gather3A_251, %broadcast_in_dim3A_524] : memref<100x32xf32, #tpu.memory_space<vmem>>[vector<16xi32>, vector<16xi32>], vector<16xf32>,
      %add3A_530 = arith.addf %add3A_528, %gather3A_529 : vector<16xf32>
      %mul3A_531 = arith.mulf %gather3A_525, %add3A_530 : vector<16xf32>
      %add3A_532 = arith.addf %add3A_522, %mul3A_531 : vector<16xf32>
      %broadcast_in_dim3A_533 = arith.constant 28 : i32
      %broadcast_in_dim3A_534 = vector.broadcast %broadcast_in_dim3A_533 : i32 to vector<16xi32>
      %gather3A_535 = tpu.vector_load_idx %arg14[%add3A_250, %broadcast_in_dim3A_534] : memref<512x32xf32, #tpu.memory_space<vmem>>[vector<16xi32>, vector<16xi32>], vector<16xf32>,
      %gather3A_536 = tpu.vector_load_idx %arg15[%add3A_250, %broadcast_in_dim3A_534] : memref<512x32xf32, #tpu.memory_space<vmem>>[vector<16xi32>, vector<16xi32>], vector<16xf32>,
      %gather3A_537 = tpu.vector_load_idx %arg16[%add3A_250, %broadcast_in_dim3A_534] : memref<512x32xf32, #tpu.memory_space<vmem>>[vector<16xi32>, vector<16xi32>], vector<16xf32>,
      %add3A_538 = arith.addf %gather3A_536, %gather3A_537 : vector<16xf32>
      %gather3A_539 = tpu.vector_load_idx %arg17[%gather3A_251, %broadcast_in_dim3A_534] : memref<100x32xf32, #tpu.memory_space<vmem>>[vector<16xi32>, vector<16xi32>], vector<16xf32>,
      %add3A_540 = arith.addf %add3A_538, %gather3A_539 : vector<16xf32>
      %mul3A_541 = arith.mulf %gather3A_535, %add3A_540 : vector<16xf32>
      %add3A_542 = arith.addf %add3A_532, %mul3A_541 : vector<16xf32>
      %broadcast_in_dim3A_543 = arith.constant 29 : i32
      %broadcast_in_dim3A_544 = vector.broadcast %broadcast_in_dim3A_543 : i32 to vector<16xi32>
      %gather3A_545 = tpu.vector_load_idx %arg14[%add3A_250, %broadcast_in_dim3A_544] : memref<512x32xf32, #tpu.memory_space<vmem>>[vector<16xi32>, vector<16xi32>], vector<16xf32>,
      %gather3A_546 = tpu.vector_load_idx %arg15[%add3A_250, %broadcast_in_dim3A_544] : memref<512x32xf32, #tpu.memory_space<vmem>>[vector<16xi32>, vector<16xi32>], vector<16xf32>,
      %gather3A_547 = tpu.vector_load_idx %arg16[%add3A_250, %broadcast_in_dim3A_544] : memref<512x32xf32, #tpu.memory_space<vmem>>[vector<16xi32>, vector<16xi32>], vector<16xf32>,
      %add3A_548 = arith.addf %gather3A_546, %gather3A_547 : vector<16xf32>
      %gather3A_549 = tpu.vector_load_idx %arg17[%gather3A_251, %broadcast_in_dim3A_544] : memref<100x32xf32, #tpu.memory_space<vmem>>[vector<16xi32>, vector<16xi32>], vector<16xf32>,
      %add3A_550 = arith.addf %add3A_548, %gather3A_549 : vector<16xf32>
      %mul3A_551 = arith.mulf %gather3A_545, %add3A_550 : vector<16xf32>
      %add3A_552 = arith.addf %add3A_542, %mul3A_551 : vector<16xf32>
      %broadcast_in_dim3A_553 = arith.constant 30 : i32
      %broadcast_in_dim3A_554 = vector.broadcast %broadcast_in_dim3A_553 : i32 to vector<16xi32>
      %gather3A_555 = tpu.vector_load_idx %arg14[%add3A_250, %broadcast_in_dim3A_554] : memref<512x32xf32, #tpu.memory_space<vmem>>[vector<16xi32>, vector<16xi32>], vector<16xf32>,
      %gather3A_556 = tpu.vector_load_idx %arg15[%add3A_250, %broadcast_in_dim3A_554] : memref<512x32xf32, #tpu.memory_space<vmem>>[vector<16xi32>, vector<16xi32>], vector<16xf32>,
      %gather3A_557 = tpu.vector_load_idx %arg16[%add3A_250, %broadcast_in_dim3A_554] : memref<512x32xf32, #tpu.memory_space<vmem>>[vector<16xi32>, vector<16xi32>], vector<16xf32>,
      %add3A_558 = arith.addf %gather3A_556, %gather3A_557 : vector<16xf32>
      %gather3A_559 = tpu.vector_load_idx %arg17[%gather3A_251, %broadcast_in_dim3A_554] : memref<100x32xf32, #tpu.memory_space<vmem>>[vector<16xi32>, vector<16xi32>], vector<16xf32>,
      %add3A_560 = arith.addf %add3A_558, %gather3A_559 : vector<16xf32>
      %mul3A_561 = arith.mulf %gather3A_555, %add3A_560 : vector<16xf32>
      %add3A_562 = arith.addf %add3A_552, %mul3A_561 : vector<16xf32>
      %broadcast_in_dim3A_563 = arith.constant 31 : i32
      %broadcast_in_dim3A_564 = vector.broadcast %broadcast_in_dim3A_563 : i32 to vector<16xi32>
      %gather3A_565 = tpu.vector_load_idx %arg14[%add3A_250, %broadcast_in_dim3A_564] : memref<512x32xf32, #tpu.memory_space<vmem>>[vector<16xi32>, vector<16xi32>], vector<16xf32>,
      %gather3A_566 = tpu.vector_load_idx %arg15[%add3A_250, %broadcast_in_dim3A_564] : memref<512x32xf32, #tpu.memory_space<vmem>>[vector<16xi32>, vector<16xi32>], vector<16xf32>,
      %gather3A_567 = tpu.vector_load_idx %arg16[%add3A_250, %broadcast_in_dim3A_564] : memref<512x32xf32, #tpu.memory_space<vmem>>[vector<16xi32>, vector<16xi32>], vector<16xf32>,
      %add3A_568 = arith.addf %gather3A_566, %gather3A_567 : vector<16xf32>
      %gather3A_569 = tpu.vector_load_idx %arg17[%gather3A_251, %broadcast_in_dim3A_564] : memref<100x32xf32, #tpu.memory_space<vmem>>[vector<16xi32>, vector<16xi32>], vector<16xf32>,
      %add3A_570 = arith.addf %add3A_568, %gather3A_569 : vector<16xf32>
      %mul3A_571 = arith.mulf %gather3A_565, %add3A_570 : vector<16xf32>
      %add3A_572 = arith.addf %add3A_562, %mul3A_571 : vector<16xf32>
      tpu.vector_store_idx %arg19[%add3A_250], %add3A_572 : memref<512xf32, #tpu.memory_space<vmem>>[vector<16xi32>], vector<16xf32>,
    }
    %scan3A_245 = arith.constant 32 : i32
    "tpu.region"() ({
      %run_scoped3A = tpu.sem_alloc : memref<!tpu.dma_semaphore, #tpu.memory_space<semaphore_mem>>
      %dma_start3A_246 = tpu.memref_slice %arg10[%mul3A_2] : memref<16384xf32, #tpu.memory_space<hbm>> -> memref<512xf32, #tpu.memory_space<hbm>>
      %dma_start3A_247 = tpu.memref_slice %arg10[%mul3A_2] : memref<16384xf32, #tpu.memory_space<hbm>> -> memref<512xf32, #tpu.memory_space<hbm>>
      tpu.enqueue_dma source(%arg19 : memref<512xf32, #tpu.memory_space<vmem>>) target(%dma_start3A_247 : memref<512xf32, #tpu.memory_space<hbm>>) target_semaphore(%run_scoped3A : memref<!tpu.dma_semaphore, #tpu.memory_space<semaphore_mem>>)
      %dma_wait3A_248 = tpu.memref_slice %arg10[%mul3A_2] : memref<16384xf32, #tpu.memory_space<hbm>> -> memref<512xf32, #tpu.memory_space<hbm>>
      %dma_wait3A_249 = tpu.memref_slice %arg10[%mul3A_2] : memref<16384xf32, #tpu.memory_space<hbm>> -> memref<512xf32, #tpu.memory_space<hbm>>
      tpu.wait_dma2 semaphore(%run_scoped3A : memref<!tpu.dma_semaphore, #tpu.memory_space<semaphore_mem>>) src(%arg19 : memref<512xf32, #tpu.memory_space<vmem>>) dst(%dma_wait3A_249 : memref<512xf32, #tpu.memory_space<hbm>>)
      tpu.yield
    }) : () -> ()
    return
  }
}

</mosaic_0001>

<sc_bundles>
// kernel: _run.3.cloned.1.call-start
scs
__scs_entry_jumppad:
0x0: {  	(pc) =	sbr.rel $0x88, $3  }
0x1: {  	(tag) =	ssettag $0x0;
	lr =	simm.s32 $0x1  }
0x2: {  	[smem:$0x3F99] =	sst lr;
	_ =	strace $0xD0000000  }
0x3: {  	_ = 	snop  }
0x4: {  	_ = 	snop  }
0x5: {  	_ = 	snop  }
0x6: {  	_ = 	snop  }
0x7: {  	_ = 	snop  }
__scs_overlays_trampoline_lowered:
0x8: {  	[smem:$0x3FA8] =	sst s0  }
0x9: {  	[smem:$0x3FA9] =	sst s1  }
0xa: {  	[smem:$0x3FAA] =	sst s2  }
0xb: {  	[smem:$0x3FAB] =	sst s3  }
0xc: {  	[smem:$0x3FAC] =	sst s4  }
0xd: {  	[smem:$0x3FAD] =	sst s5  }
0xe: {  	[smem:$0x3FAE] =	sst s6  }
0xf: {  	[smem:$0x3FAF] =	sst s7  }
0x10: {  	[smem:$0x3FB0] =	sst s8  }
0x11: {  	[smem:$0x3FB1] =	sst s9;
	s0 =	simm.s32 @!p0 $0x0  }
0x12: {  	s1 =	sld [smem:$0x3F97];
	s0 =	simm.s32 @p0 $0x1  }
0x13: {  	[smem:$0x3FB2] =	sst s0;
	s0 =	simm.s32 @!p1 $0x0  }
0x14: {  	s2 =	sld [smem:$0x3F96];
	s0 =	simm.s32 @p1 $0x1  }
0x15: {  	[smem:$0x3FB3] =	sst s0;
	s0 =	simm.s32 @!p2 $0x0  }
0x16: {  	s3 =	sld [smem:$0x3FDB];
	s0 =	simm.s32 @p2 $0x1  }
0x17: {  	s4 =	simm.s32 $0x1BF5;
	[smem:$0x3FB5] =	sst s0  }
0x18: {  	s0 =	sld [smem:$0x3F98];
	_ =	swait.ge [sflag:s4], $0x0  }
0x19: {  	s7 =	sld [smem:$0x3F99]  }
0x1a: {  	s8 =	sadd.s32 $0xFFFFE003, lr  }
0x1b: {  	s9 =	sadd.s32 $0xFFFFFEF7, lr;
	s5 =	simm.s32 $0xFFFFFFFF;
	p2 =	slt.u32 s8, $0xFFFFF086  }
0x1c: {  	p1 =	slt.u32 s9, $0xF7A;
	s5 =	simm.s32 @!p2 $0x0  }
0x1d: {  	s5 =	simm.s32 @p1 $0x1;
	p0 =	seq.s32 s7, s2  }
0x1e: {  	s7 =	smul.u32 @!p0 $0xF7A, s2;
	p2 =	seq.s32 @!p0 s5, $0x0  }
0x1f: {  	s9 =	smul.u32 $0xF7A, s1;
	s8 =	simm.s32 @!p0 $0x1BF5;
	p2 =	por !p2, p0  }
0x20: {  	[sflag:s8] =	ssyncset.s32 @!p0 $0xFFFFF086;
	s6 =	sadd.s32 @!p0 s3, s7;
	s7 =	simm.s32 @!p0 $0x108  }
0x21: {  	s3 =	sadd.s32 s3, s9;
	s6 =	sadd.s32 @!p0 $0x88, s6;
	s7 =	simm.s32 @p2 $0x1082  }
0x22: {  	[simem:s7], [sflag:s8] =	dma.local @!p0 [hbm:s6], $0xF7A  }
0x23: {  	s9 =	sor.u32 $0xD0000000, s2;
	s6 =	simm.s32 $0x108;
	_ =	swait.ge @!p0 [sflag:s8], $0x0  }
0x24: {  	s3 =	sadd.s32 $0x88, s3;
	s6 =	simm.s32 @!p1 $0x1082;
	[sflag:s4] =	ssyncset.s32 $0xFFFFF086  }
0x25: {  	[simem:s6], [sflag:s4] =	dma.local [hbm:s3], $0xF7A  }
0x26: {  	[smem:$0x3F99] =	sst s1;
	(tag) =	ssettag s2;
	_ =	strace s9  }
0x27: {  	s1 =	sld [smem:$0x3FA9]  }
0x28: {  	s2 =	sld [smem:$0x3FAA]  }
0x29: {  	s4 =	sld [smem:$0x3FAC]  }
0x2a: {  	p0 =	seq.s32 s5, $0x0;
	s5 =	sld [smem:$0x3FAD]  }
0x2b: {  	s6 =	sld [smem:$0x3FAE]  }
0x2c: {  	s7 =	sld [smem:$0x3FAF]  }
0x2d: {  	s3 =	simm.s32 $0x108;
	s8 =	sld [smem:$0x3FB0]  }
0x2e: {  	s3 =	simm.s32 @!p0 $0x1082;
	s9 =	sld [smem:$0x3FB1]  }
0x2f: {  	lr =	sadd.s32 s0, s3;
	s0 =	sld [smem:$0x3FA8]  }
0x30: {  	s3 =	sld [smem:$0x3FAB]  }
0x31: {  	[smem:$0x3FB4] =	sst s10  }
0x32: {  	s10 =	sld [smem:$0x3FB2];
	_ =	sdelay $0x3  }
0x33: {  	p0 =	seq.s32 s10, $0x1;
	s10 =	sld [smem:$0x3FB4];
	_ =	sdelay $0x3  }
0x34: {  	[smem:$0x3FB4] =	sst s10  }
0x35: {  	s10 =	sld [smem:$0x3FB3];
	_ =	sdelay $0x3  }
0x36: {  	p1 =	seq.s32 s10, $0x1;
	s10 =	sld [smem:$0x3FB4];
	_ =	sdelay $0x3  }
0x37: {  	[smem:$0x3FB4] =	sst s10  }
0x38: {  	s10 =	sld [smem:$0x3FB5]  }
0x39: {  	_ = 	snop;
	(pc) =	sbr.ind lr, $3  }
0x3a: {  	_ = 	snop  }
0x3b: {  	_ = 	snop  }
0x3c: {  	p2 =	seq.s32 s10, $0x1;
	s10 =	sld [smem:$0x3FB4]  }
0x3d: {  	_ =	shalt  }
0x3e: {  	_ =	shalt  }
0x3f: {  	_ =	shalt  }
0x40: {  	_ =	shalt  }
0x41: {  	_ =	shalt  }
0x42: {  	_ =	shalt  }
0x43: {  	_ =	shalt  }
0x44: {  	_ =	shalt  }
0x45: {  	_ =	shalt  }
0x46: {  	_ =	shalt  }
0x47: {  	_ =	shalt  }
0x48: {  	_ =	shalt  }
0x49: {  	_ =	shalt  }
0x4a: {  	_ =	shalt  }
0x4b: {  	_ =	shalt  }
0x4c: {  	_ =	shalt  }
0x4d: {  	_ =	shalt  }
0x4e: {  	_ =	shalt  }
0x4f: {  	_ =	shalt  }
0x50: {  	_ =	shalt  }
0x51: {  	_ =	shalt  }
0x52: {  	_ =	shalt  }
0x53: {  	_ =	shalt  }
0x54: {  	_ =	shalt  }
0x55: {  	_ =	shalt  }
0x56: {  	_ =	shalt  }
0x57: {  	_ =	shalt  }
0x58: {  	_ =	shalt  }
0x59: {  	_ =	shalt  }
0x5a: {  	_ =	shalt  }
0x5b: {  	_ =	shalt  }
0x5c: {  	_ =	shalt  }
0x5d: {  	_ =	shalt  }
0x5e: {  	_ =	shalt  }
0x5f: {  	_ =	shalt  }
0x60: {  	_ =	shalt  }
0x61: {  	_ =	shalt  }
0x62: {  	_ =	shalt  }
0x63: {  	_ =	shalt  }
0x64: {  	_ =	shalt  }
0x65: {  	_ =	shalt  }
0x66: {  	_ =	shalt  }
0x67: {  	_ =	shalt  }
0x68: {  	_ =	shalt  }
0x69: {  	_ =	shalt  }
0x6a: {  	_ =	shalt  }
0x6b: {  	_ =	shalt  }
0x6c: {  	_ =	shalt  }
0x6d: {  	_ =	shalt  }
0x6e: {  	_ =	shalt  }
0x6f: {  	_ =	shalt  }
0x70: {  	_ =	shalt  }
0x71: {  	_ =	shalt  }
0x72: {  	_ =	shalt  }
0x73: {  	_ =	shalt  }
0x74: {  	_ =	shalt  }
0x75: {  	_ =	shalt  }
0x76: {  	_ =	shalt  }
0x77: {  	_ =	shalt  }
0x78: {  	_ =	shalt  }
0x79: {  	_ =	shalt  }
0x7a: {  	_ =	shalt  }
0x7b: {  	_ =	shalt  }
0x7c: {  	_ =	shalt  }
0x7d: {  	_ =	shalt  }
0x7e: {  	_ =	shalt  }
0x7f: {  	_ =	shalt  }
0x80: {  	_ =	shalt  }
0x81: {  	_ =	shalt  }
0x82: {  	_ =	shalt  }
0x83: {  	_ =	shalt  }
0x84: {  	_ =	shalt  }
0x85: {  	_ =	shalt  }
0x86: {  	_ =	shalt  }
0x87: {  	_ =	shalt  }
.Lfunc_end0:
.L_simem_size_0:
called_computation_lowered:
.L_overlay_start_0:
0x88: {  	s2 =	sld [smem:$0x3FD9]  }
0x89: {  	s3 =	sld [smem:$0x3FFE];
	_ =	sdelay $0x1  }
0x8a: {  	s1 =	srdreg.scid  }
0x8b: {  	s0 =	sand.u32 $0x1, s1  }
0x8c: {  	s17 =	sshll.u32 s0, $0xA;
	s2 =	sadd.s32 s3, s2  }
0x8d: {  	s2 =	sadd.s32 s2, s17  }
0x8e: {  	[smem:$0x3FC0] =	sst s2  }
0x8f: {  	_ = 	snop  }
0x90: {  	s2 =	sld [smem:$0x3FC9]  }
0x91: {  	s18 =	sld [smem:$0x3FC8]  }
0x92: {  	s4 =	sld [smem:$0x3FC3]  }
0x93: {  	s5 =	sld [smem:$0x3FC2]  }
0x94: {  	s6 =	sld [smem:$0x3FD0];
	(tm) =	ssettm $0x1  }
0x95: {  	s7 =	sld [smem:$0x3FFB];
	_ =	sdelay $0x3  }
0x96: {  	_ =	strace s7  }
0x97: {  	s7 =	sld [smem:$0x3FFC];
	_ =	sdelay $0x3  }
0x98: {  	_ =	strace s7  }
0x99: {  	s7 =	sld [smem:$0x3FFD];
	_ =	sdelay $0x3  }
0x9a: {  	_ =	strace s7  }
0x9b: {  	_ =	strace $0x8FFFFFFF  }
0x9c: {  	s19 =	sld [smem:$0x3FDB];
	_ =	sdelay $0x1  }
0x9d: {  	s8 =	simm.s32 $_scs_section_size  }
0x9e: {  	s9 =	simm.s32 $_size__tile_overlayer_lowered;
	s10 =	simm.s32 $_tile_overlayer_lowered  }
0x9f: {  	s22 =	simm.s32 $0x1BFF;
	s21 =	sshll.u32 s10, $0x1;
	s7 =	sadd.s32 s8, s19  }
0xa0: {  	s11 =	simm.s32 $0x0;
	s20 =	sshll.u32 s9, $0x1;
	s9 =	sadd.s32 s21, s7  }
0xa1: {  	[timem:s11], [sflag:s22] =	dma.local [hbm:s9], s20  }
0xa2: {  	_ =	swait.ge [sflag:s22], s20  }
0xa3: {  	s8 =	ssub.s32 $0x0, s20;
	[sflag:s22] =	ssyncset.done $0x0  }
0xa4: {  	[sflag:s22] =	ssyncadd.s32 s8;
	_ =	sdelay $0x1  }
0xa5: {  	s23 =	simm.s32 $0x1B8B  }
0xa6: {  	_ =	swait.ge [sflag:s23], $0x1  }
0xa7: {  	[sflag:s23] =	ssyncset.done $0x0  }
0xa8: {  	s25 =	simm.s32 $0x1B8E;
	s24 =	sld [smem:$0x3FFE];
	[sflag:s23] =	ssyncadd.s32 $0xFFFFFFFF  }
0xa9: {  	s26 =	simm.s32 $execute0_lowered;
	[smem:$0x3FD2] =	sst s25  }
0xaa: {  	s9 =	sshll.u32 s26, $0x1;
	_ =	strace $0x80000046;
	[dreg:$0x1] =	wrdreg $0xFFFFFFFF  }
0xab: {  	s28 =	simm.s32 $_size_execute0_lowered;
	s7 =	sadd.s32 s7, s9;
	[dreg:$0x0] =	wrdreg $0x0  }
0xac: {  	s9 =	sshll.u32 s28, $0x1;
	[dreg:$0x2] =	wrdreg s7  }
0xad: {  	[dreg:$0x3] =	wrdreg s9  }
0xae: {  	[dreg:$0x4] =	wrdreg $0xC0  }
0xaf: {  	_ =	task [dreg:s11], $0x5FFFF  }
0xb0: {  	[dreg:$0x1] =	wrdreg $0xFFFFFFFF  }
0xb1: {  	[dreg:$0x0] =	wrdreg $0x60  }
0xb2: {  	[dreg:$0x2] =	wrdreg s2  }
0xb3: {  	[dreg:$0x3] =	wrdreg s18  }
0xb4: {  	[dreg:$0x4] =	wrdreg s24  }
0xb5: {  	[dreg:$0x5] =	wrdreg s4  }
0xb6: {  	[dreg:$0x6] =	wrdreg s5  }
0xb7: {  	[dreg:$0x7] =	wrdreg s6  }
0xb8: {  	[dreg:$0x8] =	wrdreg $0x9  }
0xb9: {  	_ =	task.clear_ibuf [dreg:s11], $0x9FFFF;
	_ =	strace $0x90000046  }
0xba: {  	s29 =	simm.s32 $0x9;
	_ =	strace $0x80000048  }
0xbb: {  	_ =	swait.ge [sflag:s29], $0x1  }
0xbc: {  	[sflag:s29] =	ssyncadd.s32 $0xFFFFFFFF  }
0xbd: {  	_ =	strace $0x90000048  }
0xbe: {  	_ =	sfence  }
0xbf: {  	s30 =	sld [smem:$0x0];
	_ =	sdelay $0x2  }
0xc0: {  	s31 =	sshll.u32 s1, $0xD;
	s1 =	sshrl.u32 s1, $0x2  }
0xc1: {  	s3 =	sand.u32 $0x4000, s31;
	s1 =	sadd.s32 s1, s30  }
0xc2: {  	s0 =	sor.u32 s3, s0;
	s1 =	sshll.u32 s1, $0x11  }
0xc3: {  	s0 =	sor.u32 s1, s0  }
0xc4: {  	s0 =	sadd.s32 $0x8F2B, s0  }
0xc5: {  	[sflag:s0] =	ssyncadd.remote.s32 $0x1  }
0xc6: {  	_ =	sfence.sel $0xFFFF  }
0xc7: {  	[dreg:$0x0] =	wrdreg $0xFFFFFFFF;
	(pc) =	sbr.abs _section_cstart, $3  }
0xc8: {  	[dreg:$0x1] =	wrdreg $0xFFFFFFFF  }
0xc9: {  	_ =	task.clear_ibuf [dreg:s11], $0x2FFFF;
	_ =	strace $0x9FFFFFFF  }
0xca: {  	(tm) =	ssettm $0x7FFFFFFF  }
0xcb: {  	_ =	shalt  }
tec
execute0_lowered:
.L_overlay_start_1:
0x0: {  	(tag) =	ssettag $0x1  }
0x1: {  	s0 =	rddreg [dreg:$0x0]  }
0x2: {  	s2 =	rddreg [dreg:$0x1]  }
0x3: {  	s4 =	rddreg [dreg:$0x2]  }
0x4: {  	s1 =	rddreg [dreg:$0x3]  }
0x5: {  	s8 =	rddreg [dreg:$0x5];
	s3 =	simm.s32 $0x0  }
0x6: {  	s7 =	srdreg.scid;
	s10 =	stileid.u32;
	s13 =	simm.s32 $0x6  }
0x7: {  	s14 =	simm.s32 $0x200;
	s15 =	simm.s32 $0xD280;
	s16 =	simm.s32 $0xC600  }
0x8: {  	s17 =	simm.s32 $0x80;
	s18 =	simm.s32 $0x600;
	s19 =	simm.s32 $0x4600  }
0x9: {  	s20 =	simm.s32 $0x400;
	s24 =	simm.s32 $0x480;
	s28 =	simm.s32 $0x300  }
0xa: {  	s30 =	simm.s32 $0x500;
	s21 =	simm.s32 $0x580;
	s23 =	simm.s32 $0x3  }
0xb: {  	s25 =	simm.s32 $0x8600;
	s31 =	simm.s32 $0xF990;
	[smem:$0x7FF] =	sst s3  }
0xc: {  	s29 =	simm.s32 $0x4;
	s5 =	sadd.s32 $0x1313600, s4;
	s6 =	sadd.s32 $0xF42C00, s4  }
0xd: {  	s7 =	sand.u32 $0x1, s7;
	s10 =	sshll.u32 s10, $0x7;
	_ =	strace $0x80000047  }
0xe: {  	s9 =	ssub.s32 $0x2, s7;
	s11 =	sshll.u32 s7, $0x6;
	s7 =	sadd.s32 $0x800, s4  }
0xf: {  	s4 =	sadd.s32 $0xA600, s4;
	s12 =	sshrl.u32 s9, $0x1;
	s11 =	sor.u32 s11, s10  }
0x10: {  	[dreg:$0x7] =	wrdreg s4;
	s4 =	simm.s32 $0x380;
	s26 =	ssub.s32 s9, s12  }
0x11: {  	s0 =	sadd.s32 s0, s11;
	s10 =	sadd.s32 s2, s11;
	s11 =	sadd.s32 s8, s11  }
0x12: {  	v41 =	vlaneseq.u32;
	s2 =	simm.s32 $0x1;
	s8 =	simm.s32 $0x0;
	[dreg:$0x8] =	wrdreg s0  }
0x13: {  	v43 =	vor.u32 $0xFFFFFFF8, v41;
	s12 =	smax.u32 s26, $0x1;
	s0 =	simm.s32 $0x5;
	s26 =	simm.s32 $0x2  }
.LBB2_1:
0x14: {  	s9 =	rddreg [dreg:$0x8]  }
0x15: {  	[tilespmem:s3], [sflag:$0x6] =	stream.linear.gather [hbm4b:s9+s3], $0x200, $0x38;
	[tilespmem:$0xFB90] =	vst v63  }
0x16: {  	_ =	swait.ge [sflag:s13], $0x200  }
0x17: {  	[sflag:s13] =	ssyncset.done $0x0  }
0x18: {  	[sflag:s13] =	ssyncadd.s32 $0xFFFFFE00  }
0x19: {  	[tilespmem:s14], [sflag:$0x6] =	stream.linear.gather [hbm4b:s10+s3], $0x200, $0x38;
	[tilespmem:$0xFB90] =	vst v63  }
0x1a: {  	_ =	swait.ge [sflag:s13], $0x200  }
0x1b: {  	[sflag:s13] =	ssyncset.done $0x0  }
0x1c: {  	[sflag:s13] =	ssyncadd.s32 $0xFFFFFE00  }
0x1d: {  	s22 =	rddreg [dreg:$0x4]  }
0x1e: {  	[tilespmem:s15], [sflag:$0x5] =	stream.linear.gather [hbm4b:s22+s3], $0x2710, $0x38;
	[tilespmem:$0xFB90] =	vst v63  }
0x1f: {  	s9 =	rddreg [dreg:$0x7]  }
0x20: {  	[tilespmem:s16], [sflag:$0x5] =	stream.linear.gather [hbm4b:s9+s3], $0xC80, $0x38;
	[tilespmem:$0xFB90] =	vst v63  }
0x21: {  	_ = 	snop  }
0x22: {  	[tilespmem:s18], [sflag:$0x1] =	stream.indirect.gather [hbm4b:s5+s17], $0x20, s3, s17, $0xb8;
	[tilespmem:$0xFB90] =	vst v63  }
0x23: {  	_ = 	snop  }
0x24: {  	[tilespmem:s19], [sflag:$0x2] =	stream.indirect.gather [hbm4b:s6+s17], $0x20, s14, s17, $0xb8;
	[tilespmem:$0xFB90] =	vst v63  }
0x25: {  	_ = 	snop  }
0x26: {  	[tilespmem:s20], [sflag:$0x3] =	stream.indirect.gather [hbm4b:s1+s17], $0x1, s14, s17, $0xb8;
	[tilespmem:$0xFB90] =	vst v63  }
0x27: {  	s9 =	simm.s32 $0x1600  }
0x28: {  	[tilespmem:s9], [sflag:$0x1] =	stream.indirect.gather [hbm4b:s5+s17], $0x20, s17, s17, $0xb8;
	[tilespmem:$0xFB90] =	vst v63  }
0x29: {  	s22 =	simm.s32 $0x280;
	s9 =	simm.s32 $0x5600  }
0x2a: {  	[tilespmem:s9], [sflag:$0x2] =	stream.indirect.gather [hbm4b:s6+s17], $0x20, s22, s17, $0xb8;
	[tilespmem:$0xFB90] =	vst v63  }
0x2b: {  	_ = 	snop  }
0x2c: {  	[tilespmem:s24], [sflag:$0x3] =	stream.indirect.gather [hbm4b:s1+s17], $0x1, s22, s17, $0xb8;
	[tilespmem:$0xFB90] =	vst v63  }
0x2d: {  	s9 =	simm.s32 $0x100;
	s22 =	simm.s32 $0x2600  }
0x2e: {  	[tilespmem:s22], [sflag:$0x1] =	stream.indirect.gather [hbm4b:s5+s17], $0x20, s9, s17, $0xb8;
	[tilespmem:$0xFB90] =	vst v63  }
0x2f: {  	s22 =	simm.s32 $0x6600  }
0x30: {  	[tilespmem:s22], [sflag:$0x2] =	stream.indirect.gather [hbm4b:s6+s17], $0x20, s28, s17, $0xb8;
	[tilespmem:$0xFB90] =	vst v63  }
0x31: {  	_ = 	snop  }
0x32: {  	[tilespmem:s30], [sflag:$0x3] =	stream.indirect.gather [hbm4b:s1+s17], $0x1, s28, s17, $0xb8;
	[tilespmem:$0xFB90] =	vst v63  }
0x33: {  	s9 =	simm.s32 $0x180;
	s22 =	simm.s32 $0x3600  }
0x34: {  	[tilespmem:s22], [sflag:$0x1] =	stream.indirect.gather [hbm4b:s5+s17], $0x20, s9, s17, $0xb8;
	[tilespmem:$0xFB90] =	vst v63  }
0x35: {  	s22 =	simm.s32 $0x7600  }
0x36: {  	[tilespmem:s22], [sflag:$0x2] =	stream.indirect.gather [hbm4b:s6+s17], $0x20, s4, s17, $0xb8;
	[tilespmem:$0xFB90] =	vst v63  }
0x37: {  	_ = 	snop  }
0x38: {  	[tilespmem:s21], [sflag:$0x3] =	stream.indirect.gather [hbm4b:s1+s17], $0x1, s4, s17, $0xb8;
	[tilespmem:$0xFB90] =	vst v63  }
0x39: {  	_ =	swait.ge [sflag:s23], $0x80  }
0x3a: {  	[sflag:s23] =	ssyncset.done $0x0  }
0x3b: {  	[sflag:s23] =	ssyncadd.s32 $0xFFFFFF80  }
0x3c: {  	_ =	swait.ge [sflag:s23], $0x80  }
0x3d: {  	[sflag:s23] =	ssyncset.done $0x0  }
0x3e: {  	[sflag:s23] =	ssyncadd.s32 $0xFFFFFF80  }
0x3f: {  	_ =	swait.ge [sflag:s23], $0x80  }
0x40: {  	[sflag:s23] =	ssyncset.done $0x0  }
0x41: {  	[sflag:s23] =	ssyncadd.s32 $0xFFFFFF80  }
0x42: {  	_ =	swait.ge [sflag:s23], $0x80  }
0x43: {  	[sflag:s23] =	ssyncset.done $0x0  }
0x44: {  	[sflag:s23] =	ssyncadd.s32 $0xFFFFFF80  }
0x45: {  	[tilespmem:s25], [sflag:$0x4] =	stream.indirect.gather [hbm4b:s7+s17], $0x20, s20, s17, $0xb8;
	[tilespmem:$0xFB90] =	vst v63  }
0x46: {  	s22 =	simm.s32 $0x9600  }
0x47: {  	[tilespmem:s22], [sflag:$0x4] =	stream.indirect.gather [hbm4b:s7+s17], $0x20, s24, s17, $0xb8;
	[tilespmem:$0xFB90] =	vst v63  }
0x48: {  	s22 =	simm.s32 $0xA600  }
0x49: {  	[tilespmem:s22], [sflag:$0x4] =	stream.indirect.gather [hbm4b:s7+s17], $0x20, s30, s17, $0xb8;
	[tilespmem:$0xFB90] =	vst v63  }
0x4a: {  	s22 =	simm.s32 $0xB600  }
0x4b: {  	[tilespmem:s22], [sflag:$0x4] =	stream.indirect.gather [hbm4b:s7+s17], $0x20, s21, s17, $0xb8;
	[tilespmem:$0xFB90] =	vst v63  }
0x4c: {  	_ =	swait.ge [sflag:s0], $0x2710  }
0x4d: {  	[sflag:s0] =	ssyncset.done $0x0  }
0x4e: {  	[sflag:s0] =	ssyncadd.s32 $0xFFFFD8F0  }
0x4f: {  	_ =	swait.ge [sflag:s0], $0xC80  }
0x50: {  	[sflag:s0] =	ssyncset.done $0x0  }
0x51: {  	[sflag:s0] =	ssyncadd.s32 $0xFFFFF380  }
0x52: {  	_ =	swait.ge [sflag:s2], $0x1000  }
0x53: {  	[sflag:s2] =	ssyncset.done $0x0  }
0x54: {  	[sflag:s2] =	ssyncadd.s32 $0xFFFFF000  }
0x55: {  	_ =	swait.ge [sflag:s2], $0x1000  }
0x56: {  	[sflag:s2] =	ssyncset.done $0x0  }
0x57: {  	[sflag:s2] =	ssyncadd.s32 $0xFFFFF000  }
0x58: {  	_ =	swait.ge [sflag:s2], $0x1000  }
0x59: {  	[sflag:s2] =	ssyncset.done $0x0  }
0x5a: {  	[sflag:s2] =	ssyncadd.s32 $0xFFFFF000  }
0x5b: {  	_ =	swait.ge [sflag:s2], $0x1000  }
0x5c: {  	[sflag:s2] =	ssyncset.done $0x0  }
0x5d: {  	[sflag:s2] =	ssyncadd.s32 $0xFFFFF000  }
0x5e: {  	_ =	swait.ge [sflag:s26], $0x1000  }
0x5f: {  	[sflag:s26] =	ssyncset.done $0x0  }
0x60: {  	[sflag:s26] =	ssyncadd.s32 $0xFFFFF000  }
0x61: {  	_ =	swait.ge [sflag:s26], $0x1000  }
0x62: {  	[sflag:s26] =	ssyncset.done $0x0  }
0x63: {  	[sflag:s26] =	ssyncadd.s32 $0xFFFFF000  }
0x64: {  	_ =	swait.ge [sflag:s26], $0x1000  }
0x65: {  	[sflag:s26] =	ssyncset.done $0x0  }
0x66: {  	[sflag:s26] =	ssyncadd.s32 $0xFFFFF000  }
0x67: {  	_ =	swait.ge [sflag:s26], $0x1000  }
0x68: {  	[sflag:s26] =	ssyncset.done $0x0  }
0x69: {  	[sflag:s26] =	ssyncadd.s32 $0xFFFFF000  }
0x6a: {  	_ =	swait.ge [sflag:s29], $0x1000  }
0x6b: {  	[sflag:s29] =	ssyncset.done $0x0  }
0x6c: {  	[sflag:s29] =	ssyncadd.s32 $0xFFFFF000  }
0x6d: {  	_ =	swait.ge [sflag:s29], $0x1000  }
0x6e: {  	[sflag:s29] =	ssyncset.done $0x0  }
0x6f: {  	v4 =	vor.u32 s3, v41;
	[sflag:s29] =	ssyncadd.s32 $0xFFFFF000  }
0x70: {  	v1 =	vshll.u32 v4, $0x5;
	_ =	swait.ge [sflag:s29], $0x1000  }
0x71: {  	v5 =	vor.u32 $0x1B, v1;
	[sflag:s29] =	ssyncset.done $0x0  }
0x72: {  	[sflag:s29] =	ssyncadd.s32 $0xFFFFF000  }
0x73: {  	_ =	swait.ge [sflag:s29], $0x1000  }
0x74: {  	[sflag:s29] =	ssyncset.done $0x0  }
0x75: {  	[sflag:s29] =	ssyncadd.s32 $0xFFFFF000  }
0x76: {  	v2 =	vor.u32 $0x1D, v1;
	v0 =	vld.idx.msk [tilespmem:v5+s18+$0x0], $0xffff;
	_ =	sdelay $0x4  }
0x77: {  	v6 =	vor.u32 $0x1A, v1;
	[tilespmem:$0x1FDF0] =	vst v0;
	v0 =	vld.idx.msk [tilespmem:v2+s19+$0x0], $0xffff;
	_ =	sdelay $0x4  }
0x78: {  	v3 =	vor.u32 $0x1C, v1;
	[tilespmem:$0x1FE10] =	vst v0;
	v0 =	vld.idx.msk [tilespmem:v6+s18+$0x0], $0xffff;
	_ =	sdelay $0x4  }
0x79: {  	v7 =	vor.u32 $0x19, v1;
	[tilespmem:$0x1FE20] =	vst v0;
	v0 =	vld.idx.msk [tilespmem:v3+s19+$0x0], $0xffff;
	_ =	sdelay $0x4  }
0x7a: {  	[tilespmem:$0x1FE40] =	vst v0;
	v0 =	vld.idx.msk [tilespmem:v7+s18+$0x0], $0xffff;
	_ =	sdelay $0x4  }
0x7b: {  	v24 =	vor.u32 $0x18, v1;
	[tilespmem:$0x1FE50] =	vst v0;
	v0 =	vld.idx.msk [tilespmem:v5+s19+$0x0], $0xffff;
	_ =	sdelay $0x4  }
0x7c: {  	[tilespmem:$0x1FE70] =	vst v0;
	v0 =	vld.idx.msk [tilespmem:v24+s18+$0x0], $0xffff;
	_ =	sdelay $0x4  }
0x7d: {  	v27 =	vor.u32 $0x17, v1;
	[tilespmem:$0x1FE80] =	vst v0;
	v0 =	vld.idx.msk [tilespmem:v6+s19+$0x0], $0xffff;
	_ =	sdelay $0x4  }
0x7e: {  	[tilespmem:$0x1FEA0] =	vst v0;
	v0 =	vld.idx.msk [tilespmem:v27+s18+$0x0], $0xffff;
	_ =	sdelay $0x4  }
0x7f: {  	v30 =	vor.u32 $0x16, v1;
	[tilespmem:$0x1FEB0] =	vst v0;
	v0 =	vld.idx.msk [tilespmem:v7+s19+$0x0], $0xffff;
	_ =	sdelay $0x4  }
0x80: {  	[tilespmem:$0x1FED0] =	vst v0;
	v0 =	vld.idx.msk [tilespmem:v30+s18+$0x0], $0xffff;
	_ =	sdelay $0x4  }
0x81: {  	v33 =	vor.u32 $0x15, v1;
	[tilespmem:$0x1FEE0] =	vst v0;
	v0 =	vld.idx.msk [tilespmem:v24+s19+$0x0], $0xffff;
	_ =	sdelay $0x4  }
0x82: {  	[tilespmem:$0x1FEF0] =	vst v0;
	v0 =	vld.idx.msk [tilespmem:v33+s18+$0x0], $0xffff;
	_ =	sdelay $0x4  }
0x83: {  	v36 =	vor.u32 $0x14, v1;
	[tilespmem:$0x1FF00] =	vst v0;
	v0 =	vld.idx.msk [tilespmem:v27+s19+$0x0], $0xffff;
	_ =	sdelay $0x4  }
0x84: {  	[tilespmem:$0x1FF10] =	vst v0;
	v0 =	vld.idx.msk [tilespmem:v36+s18+$0x0], $0xffff;
	_ =	sdelay $0x4  }
0x85: {  	v40 =	vor.u32 $0x13, v1;
	[tilespmem:$0x1FF20] =	vst v0;
	v0 =	vld.idx.msk [tilespmem:v30+s19+$0x0], $0xffff;
	_ =	sdelay $0x4  }
0x86: {  	[tilespmem:$0x1FF30] =	vst v0;
	v0 =	vld.idx.msk [tilespmem:v40+s18+$0x0], $0xffff;
	_ =	sdelay $0x4  }
0x87: {  	v42 =	vor.u32 $0x12, v1;
	[tilespmem:$0x1FF40] =	vst v0;
	v0 =	vld.idx.msk [tilespmem:v33+s19+$0x0], $0xffff;
	_ =	sdelay $0x4  }
0x88: {  	[tilespmem:$0x1FF50] =	vst v0;
	v0 =	vld.idx.msk [tilespmem:v42+s18+$0x0], $0xffff;
	_ =	sdelay $0x4  }
0x89: {  	v45 =	vor.u32 $0x11, v1;
	[tilespmem:$0x1FF60] =	vst v0;
	v0 =	vld.idx.msk [tilespmem:v36+s19+$0x0], $0xffff;
	_ =	sdelay $0x4  }
0x8a: {  	[tilespmem:$0x1FF70] =	vst v0;
	v0 =	vld.idx.msk [tilespmem:v45+s18+$0x0], $0xffff;
	_ =	sdelay $0x4  }
0x8b: {  	v48 =	vor.u32 $0x10, v1;
	[tilespmem:$0x1FF80] =	vst v0;
	v0 =	vld.idx.msk [tilespmem:v40+s19+$0x0], $0xffff;
	_ =	sdelay $0x4  }
0x8c: {  	[tilespmem:$0x1FF90] =	vst v0;
	v0 =	vld.idx.msk [tilespmem:v48+s18+$0x0], $0xffff;
	_ =	sdelay $0x4  }
0x8d: {  	v51 =	vor.u32 $0xF, v1;
	[tilespmem:$0x1FFA0] =	vst v0;
	v0 =	vld.idx.msk [tilespmem:v42+s19+$0x0], $0xffff;
	_ =	sdelay $0x4  }
0x8e: {  	[tilespmem:$0x1FFB0] =	vst v0;
	v0 =	vld.idx.msk [tilespmem:v51+s18+$0x0], $0xffff;
	_ =	sdelay $0x1  }
0x8f: {  	v44 =	vor.u32 $0x1F, v1;
	_ =	sdelay $0x1  }
0x90: {  	v47 =	vor.u32 $0x1E, v1  }
0x91: {  	v55 =	vor.u32 $0xE, v1;
	[tilespmem:$0x1FFC0] =	vst v0;
	v0 =	vld.idx.msk [tilespmem:v45+s19+$0x0], $0xffff  }
0x92: {  	v59 =	vor.u32 $0xD, v1;
	v21 =	vld.idx.msk [tilespmem:v2+s18+$0x0], $0xffff  }
0x93: {  	v46 =	vld.idx.msk [tilespmem:v44+s19+$0x0], $0xffff  }
0x94: {  	v62 =	vor.u32 $0xC, v1;
	v49 =	vld.idx.msk [tilespmem:v3+s18+$0x0], $0xffff  }
0x95: {  	v53 =	vld.idx.msk [tilespmem:v47+s19+$0x0], $0xffff  }
0x96: {  	[tilespmem:$0x1FFD0] =	vst v0;
	v0 =	vld.idx.msk [tilespmem:v55+s18+$0x0], $0xffff  }
0x97: {  	v50 =	vld.idx.msk [tilespmem:v59+s18+$0x0], $0xffff  }
0x98: {  	v52 =	vld.idx.msk [tilespmem:v51+s19+$0x0], $0xffff  }
0x99: {  	[tilespmem:$0x1FE90] =	vst v6;
	v54 =	vld.idx.msk [tilespmem:v62+s18+$0x0], $0xffff;
	v6 =	vor.u32 $0xA, v1  }
0x9a: {  	[tilespmem:$0x1FEC0] =	vst v7;
	v56 =	vld.idx.msk [tilespmem:v55+s19+$0x0], $0xffff;
	v7 =	vor.u32 $0x9, v1  }
0x9b: {  	v58 =	vld.idx.msk [tilespmem:v59+s19+$0x0], $0xffff;
	[tilespmem:$0x1FFE0] =	vst v0;
	v0 =	vor.u32 $0xB, v1  }
0x9c: {  	[tilespmem:$0x1FE00] =	vst v2;
	v2 =	vld.idx.msk [tilespmem:v48+s19+$0x0], $0xffff  }
0x9d: {  	v61 =	vld.idx.msk [tilespmem:v62+s19+$0x0], $0xffff  }
0x9e: {  	v60 =	vld.idx.msk [tilespmem:v6+s18+$0x0], $0xffff  }
0x9f: {  	[tilespmem:$0x1FE30] =	vst v3;
	v63 =	vld.idx.msk [tilespmem:v7+s18+$0x0], $0xffff  }
0xa0: {  	[tilespmem:$0x1FE60] =	vst v5;
	v57 =	vld.idx.msk [tilespmem:v0+s18+$0x0], $0xffff  }
0xa1: {  	v8 =	vor.u32 $0x8, v1;
	v10 =	vor.u32 $0x7, v1;
	v14 =	vor.u32 $0x6, v1;
	s22 =	simm.s32 $0x10;
	[tilespmem:$0x1FFF0] =	vst v2;
	v3 =	vld.idx.msk [tilespmem:v0+s19+$0x0], $0xffff  }
.LBB2_2:
0xa2: {  	_ =	sdelay $0x3  }
0xa3: {  	v11 =	vld.idx.msk [tilespmem:v8+s18+$0x0], $0xffff  }
0xa4: {  	v13 =	vld.idx.msk [tilespmem:v6+s19+$0x0], $0xffff  }
0xa5: {  	v2 =	vand.u32 v43, v4;
	v15 =	vld.idx.msk [tilespmem:v10+s18+$0x0], $0xffff  }
0xa6: {  	v17 =	vld.idx.msk [tilespmem:v7+s19+$0x0], $0xffff  }
0xa7: {  	v22 =	vld.idx.msk [tilespmem:v14+s18+$0x0], $0xffff  }
0xa8: {  	v25 =	vld.idx.msk [tilespmem:v8+s19+$0x0], $0xffff  }
0xa9: {  	v28 =	vld.idx.msk [tilespmem:v10+s19+$0x0], $0xffff  }
0xaa: {  	v18 =	vor.u32 $0x5, v1;
	v4 =	vld.idx.msk [tilespmem:v2+s20+$0x0], $0xffff  }
0xab: {  	v20 =	vor.u32 $0x4, v1;
	v32 =	vld.idx.msk [tilespmem:v14+s19+$0x0], $0xffff  }
0xac: {  	v23 =	vor.u32 $0x3, v1;
	v39 =	vld.idx.msk [tilespmem:v1+s18+$0x0], $0xffff  }
0xad: {  	v12 =	vld.idx.msk [tilespmem:v1+s19+$0x0], $0xffff  }
0xae: {  	v29 =	vor.u32 $0x2, v1;
	v34 =	vor.u32 $0x1, v1;
	v1 =	vld.idx.msk [tilespmem:v1+s25+$0x0], $0xffff  }
0xaf: {  	v26 =	vld.idx.msk [tilespmem:v18+s18+$0x0], $0xffff  }
0xb0: {  	v31 =	vld.idx.msk [tilespmem:v20+s18+$0x0], $0xffff  }
0xb1: {  	v35 =	vld.idx.msk [tilespmem:v23+s18+$0x0], $0xffff  }
0xb2: {  	v4 =	vld.idx.msk [tilespmem:v4+s15+$0x0], $0xffff  }
0xb3: {  	[tilespmem:$0x1FDE0] =	vst v2;
	v2 =	vld.idx.msk [tilespmem:v18+s19+$0x0], $0xffff  }
0xb4: {  	v37 =	vld.idx.msk [tilespmem:v29+s18+$0x0], $0xffff  }
0xb5: {  	v5 =	vld.idx.msk [tilespmem:v20+s19+$0x0], $0xffff  }
0xb6: {  	[tilespmem:$0x1FDA0] =	vst v53;
	v53 =	vld.idx.msk [tilespmem:v34+s18+$0x0], $0xffff  }
0xb7: {  	v38 =	vld.idx.msk [tilespmem:v23+s19+$0x0], $0xffff;
	v4 =	vshll.u32 v4, $0x5  }
0xb8: {  	v9 =	vld.idx.msk [tilespmem:v29+s19+$0x0], $0xffff  }
0xb9: {  	[tilespmem:$0x1FDB0] =	vst v49;
	v49 =	vmov v47;
	v47 =	vmov v43;
	v41 =	vld.idx.msk [tilespmem:v34+s19+$0x0], $0xffff;
	v43 =	vor.u32 $0x1, v4  }
0xba: {  	v34 =	vld.idx.msk [tilespmem:v34+s25+$0x0], $0xffff  }
0xbb: {  	[tilespmem:$0x1FDD0] =	vst v21;
	v21 =	vmov v44;
	v29 =	vld.idx.msk [tilespmem:v29+s25+$0x0], $0xffff;
	v44 =	vor.u32 $0x2, v4  }
0xbc: {  	v16 =	vld.idx.msk [tilespmem:v4+s16+$0x0], $0xffff  }
0xbd: {  	[tilespmem:$0x1FDC0] =	vst v46;
	v23 =	vld.idx.msk [tilespmem:v23+s25+$0x0], $0xffff;
	v46 =	vor.u32 $0x3, v4  }
0xbe: {  	v19 =	vor.u32 $0x4, v4;
	v43 =	vld.idx.msk [tilespmem:v43+s16+$0x0], $0xffff  }
0xbf: {  	v1 =	vadd.f32 v1, v12;
	v20 =	vld.idx.msk [tilespmem:v20+s25+$0x0], $0xffff  }
0xc0: {  	v12 =	vld.idx.msk [tilespmem:v44+s16+$0x0], $0xffff  }
0xc1: {  	v18 =	vld.idx.msk [tilespmem:v18+s25+$0x0], $0xffff;
	v44 =	vor.u32 $0x5, v4;
	v1 =	vadd.f32 v16, v1;
	v16 =	vadd.f32 v34, v41  }
0xc2: {  	v9 =	vadd.f32 v29, v9;
	v34 =	vld.idx.msk [tilespmem:v46+s16+$0x0], $0xffff  }
0xc3: {  	v19 =	vld.idx.msk [tilespmem:v19+s16+$0x0], $0xffff;
	v46 =	vor.u32 $0x6, v4;
	v1 =	vmul.f32 v1, v39;
	v16 =	vadd.f32 v43, v16  }
0xc4: {  	v14 =	vld.idx.msk [tilespmem:v14+s25+$0x0], $0xffff;
	v23 =	vadd.f32 v23, v38;
	v29 =	vor.u32 $0x7, v4  }
0xc5: {  	v10 =	vld.idx.msk [tilespmem:v10+s25+$0x0], $0xffff;
	v9 =	vadd.f32 v12, v9;
	v1 =	vadd.f32 $0.0e+00, v1;
	v16 =	vmul.f32 v16, v53  }
0xc6: {  	v5 =	vadd.f32 v20, v5;
	v20 =	vor.u32 $0x8, v4;
	v12 =	vld.idx.msk [tilespmem:v44+s16+$0x0], $0xffff  }
0xc7: {  	v8 =	vld.idx.msk [tilespmem:v8+s25+$0x0], $0xffff;
	v9 =	vmul.f32 v9, v37;
	v38 =	vadd.f32 v34, v23;
	v1 =	vadd.f32 v16, v1  }
0xc8: {  	v2 =	vadd.f32 v18, v2;
	v5 =	vadd.f32 v19, v5;
	v23 =	vld.idx.msk [tilespmem:v46+s16+$0x0], $0xffff  }
0xc9: {  	v7 =	vld.idx.msk [tilespmem:v7+s25+$0x0], $0xffff;
	v39 =	vor.u32 $0x9, v4;
	v1 =	vadd.f32 v9, v1;
	v9 =	vmul.f32 v38, v35  }
0xca: {  	v14 =	vadd.f32 v14, v32;
	v44 =	vld.idx.msk [tilespmem:v29+s16+$0x0], $0xffff;
	v5 =	vmul.f32 v5, v31  }
0xcb: {  	v6 =	vld.idx.msk [tilespmem:v6+s25+$0x0], $0xffff;
	v46 =	vor.u32 $0xA, v4;
	v2 =	vadd.f32 v12, v2;
	v1 =	vadd.f32 v9, v1  }
0xcc: {  	v10 =	vadd.f32 v10, v28;
	v12 =	vor.u32 $0xB, v4;
	v9 =	vld.idx.msk [tilespmem:v20+s16+$0x0], $0xffff  }
0xcd: {  	v0 =	vld.idx.msk [tilespmem:v0+s25+$0x0], $0xffff;
	v2 =	vmul.f32 v2, v26;
	v1 =	vadd.f32 v5, v1;
	v5 =	vadd.f32 v23, v14  }
0xce: {  	v8 =	vadd.f32 v8, v25;
	v43 =	vmov v47;
	v47 =	vor.u32 $0xC, v4;
	v14 =	vld.idx.msk [tilespmem:v39+s16+$0x0], $0xffff  }
0xcf: {  	v53 =	vld.idx.msk [tilespmem:v62+s25+$0x0], $0xffff;
	v1 =	vadd.f32 v2, v1;
	v2 =	vmul.f32 v5, v22;
	v5 =	vadd.f32 v44, v10  }
0xd0: {  	v7 =	vadd.f32 v7, v17;
	v62 =	vor.u32 $0xD, v4;
	v10 =	vld.idx.msk [tilespmem:v46+s16+$0x0], $0xffff  }
0xd1: {  	v1 =	vadd.f32 v2, v1;
	v2 =	vmul.f32 v5, v15;
	v5 =	vadd.f32 v9, v8  }
0xd2: {  	v6 =	vadd.f32 v6, v13;
	v8 =	vld.idx.msk [tilespmem:v12+s16+$0x0], $0xffff  }
0xd3: {  	v9 =	vld.idx.msk [tilespmem:v59+s25+$0x0], $0xffff;
	v1 =	vadd.f32 v2, v1;
	v2 =	vmul.f32 v5, v11;
	v5 =	vadd.f32 v14, v7  }
0xd4: {  	v0 =	vadd.f32 v0, v3;
	v7 =	vld.idx.msk [tilespmem:v47+s16+$0x0], $0xffff  }
0xd5: {  	v1 =	vadd.f32 v2, v1;
	v2 =	vmul.f32 v5, v63;
	v5 =	vadd.f32 v10, v6  }
0xd6: {  	v6 =	vld.idx.msk [tilespmem:v62+s16+$0x0], $0xffff;
	v10 =	vadd.f32 v53, v61  }
0xd7: {  	v0 =	vadd.f32 v8, v0;
	v1 =	vadd.f32 v2, v1;
	v2 =	vmul.f32 v5, v60  }
0xd8: {  	v12 =	vor.u32 $0xE, v4;
	v8 =	vadd.f32 v9, v58  }
0xd9: {  	v0 =	vmul.f32 v0, v57;
	v1 =	vadd.f32 v2, v1;
	v2 =	vadd.f32 v7, v10;
	_ =	sdelay $0x1  }
0xda: {  	v3 =	vld.idx.msk [tilespmem:v55+s25+$0x0], $0xffff;
	v0 =	vadd.f32 v0, v1;
	v1 =	vmul.f32 v2, v54;
	v2 =	vadd.f32 v6, v8;
	_ =	sdelay $0x1  }
0xdb: {  	v5 =	vld.idx.msk [tilespmem:v12+s16+$0x0], $0xffff;
	v0 =	vadd.f32 v1, v0;
	v1 =	vmul.f32 v2, v50;
	_ =	sdelay $0x1  }
0xdc: {  	v11 =	vor.u32 $0xF, v4;
	v0 =	vadd.f32 v1, v0;
	v1 =	vld [tilespmem:$0x1FFE0]  }
0xdd: {  	v3 =	vadd.f32 v3, v56;
	_ =	sdelay $0x1  }
0xde: {  	v13 =	vld.idx.msk [tilespmem:v51+s25+$0x0], $0xffff;
	v2 =	vadd.f32 v5, v3;
	_ =	sdelay $0x1  }
0xdf: {  	v7 =	vld.idx.msk [tilespmem:v11+s16+$0x0], $0xffff;
	v1 =	vmul.f32 v2, v1;
	_ =	sdelay $0x1  }
0xe0: {  	v14 =	vor.u32 $0x10, v4;
	v0 =	vadd.f32 v1, v0;
	v1 =	vld [tilespmem:$0x1FFC0]  }
0xe1: {  	v8 =	vadd.f32 v13, v52  }
0xe2: {  	v9 =	vld.idx.msk [tilespmem:v48+s25+$0x0], $0xffff  }
0xe3: {  	v5 =	vld [tilespmem:$0x1FFF0];
	v2 =	vadd.f32 v7, v8;
	_ =	sdelay $0x1  }
0xe4: {  	v6 =	vld.idx.msk [tilespmem:v14+s16+$0x0], $0xffff;
	v1 =	vmul.f32 v2, v1;
	_ =	sdelay $0x1  }
0xe5: {  	v12 =	vor.u32 $0x11, v4;
	v0 =	vadd.f32 v1, v0;
	v1 =	vld [tilespmem:$0x1FFA0]  }
0xe6: {  	v5 =	vadd.f32 v9, v5  }
0xe7: {  	v10 =	vld.idx.msk [tilespmem:v45+s25+$0x0], $0xffff  }
0xe8: {  	v8 =	vld [tilespmem:$0x1FFD0];
	v2 =	vadd.f32 v6, v5;
	_ =	sdelay $0x1  }
0xe9: {  	v3 =	vld.idx.msk [tilespmem:v12+s16+$0x0], $0xffff;
	v1 =	vmul.f32 v2, v1;
	_ =	sdelay $0x1  }
0xea: {  	v11 =	vor.u32 $0x12, v4;
	v0 =	vadd.f32 v1, v0;
	v1 =	vld [tilespmem:$0x1FF80]  }
0xeb: {  	v8 =	vadd.f32 v10, v8  }
0xec: {  	v13 =	vld.idx.msk [tilespmem:v42+s25+$0x0], $0xffff  }
0xed: {  	v6 =	vld [tilespmem:$0x1FFB0];
	v2 =	vadd.f32 v3, v8;
	_ =	sdelay $0x1  }
0xee: {  	v7 =	vld.idx.msk [tilespmem:v11+s16+$0x0], $0xffff;
	v1 =	vmul.f32 v2, v1;
	_ =	sdelay $0x1  }
0xef: {  	v14 =	vor.u32 $0x13, v4;
	v0 =	vadd.f32 v1, v0;
	v1 =	vld [tilespmem:$0x1FF60]  }
0xf0: {  	v6 =	vadd.f32 v13, v6  }
0xf1: {  	v9 =	vld.idx.msk [tilespmem:v40+s25+$0x0], $0xffff  }
0xf2: {  	v8 =	vld [tilespmem:$0x1FF90];
	v2 =	vadd.f32 v7, v6;
	_ =	sdelay $0x1  }
0xf3: {  	v5 =	vld.idx.msk [tilespmem:v14+s16+$0x0], $0xffff;
	v1 =	vmul.f32 v2, v1;
	_ =	sdelay $0x1  }
0xf4: {  	v12 =	vor.u32 $0x14, v4;
	v0 =	vadd.f32 v1, v0;
	v1 =	vld [tilespmem:$0x1FF40]  }
0xf5: {  	v8 =	vadd.f32 v9, v8  }
0xf6: {  	v10 =	vld.idx.msk [tilespmem:v36+s25+$0x0], $0xffff  }
0xf7: {  	v7 =	vld [tilespmem:$0x1FF70];
	v2 =	vadd.f32 v5, v8;
	_ =	sdelay $0x1  }
0xf8: {  	v3 =	vld.idx.msk [tilespmem:v12+s16+$0x0], $0xffff;
	v1 =	vmul.f32 v2, v1;
	_ =	sdelay $0x1  }
0xf9: {  	v11 =	vor.u32 $0x15, v4;
	v0 =	vadd.f32 v1, v0;
	v1 =	vld [tilespmem:$0x1FF20]  }
0xfa: {  	v7 =	vadd.f32 v10, v7  }
0xfb: {  	v13 =	vld.idx.msk [tilespmem:v33+s25+$0x0], $0xffff  }
0xfc: {  	v8 =	vld [tilespmem:$0x1FF50];
	v2 =	vadd.f32 v3, v7;
	_ =	sdelay $0x1  }
0xfd: {  	v6 =	vld.idx.msk [tilespmem:v11+s16+$0x0], $0xffff;
	v1 =	vmul.f32 v2, v1;
	_ =	sdelay $0x1  }
0xfe: {  	v14 =	vor.u32 $0x16, v4;
	v0 =	vadd.f32 v1, v0;
	v1 =	vld [tilespmem:$0x1FF00]  }
0xff: {  	v8 =	vadd.f32 v13, v8  }
0x100: {  	v9 =	vld.idx.msk [tilespmem:v30+s25+$0x0], $0xffff  }
0x101: {  	v7 =	vld [tilespmem:$0x1FF30];
	v2 =	vadd.f32 v6, v8;
	_ =	sdelay $0x1  }
0x102: {  	v5 =	vld.idx.msk [tilespmem:v14+s16+$0x0], $0xffff;
	v1 =	vmul.f32 v2, v1;
	_ =	sdelay $0x1  }
0x103: {  	v12 =	vor.u32 $0x17, v4;
	v0 =	vadd.f32 v1, v0;
	v1 =	vld [tilespmem:$0x1FEE0]  }
0x104: {  	v7 =	vadd.f32 v9, v7  }
0x105: {  	v10 =	vld.idx.msk [tilespmem:v27+s25+$0x0], $0xffff  }
0x106: {  	v8 =	vld [tilespmem:$0x1FF10];
	v2 =	vadd.f32 v5, v7;
	_ =	sdelay $0x1  }
0x107: {  	v3 =	vld.idx.msk [tilespmem:v12+s16+$0x0], $0xffff;
	v1 =	vmul.f32 v2, v1;
	_ =	sdelay $0x1  }
0x108: {  	v11 =	vor.u32 $0x18, v4;
	v0 =	vadd.f32 v1, v0;
	v1 =	vld [tilespmem:$0x1FEB0]  }
0x109: {  	v9 =	vld [tilespmem:$0x1FEC0];
	v8 =	vadd.f32 v10, v8  }
0x10a: {  	v13 =	vld.idx.msk [tilespmem:v24+s25+$0x0], $0xffff  }
0x10b: {  	v7 =	vld [tilespmem:$0x1FEF0];
	v2 =	vadd.f32 v3, v8;
	_ =	sdelay $0x1  }
0x10c: {  	v6 =	vld.idx.msk [tilespmem:v11+s16+$0x0], $0xffff;
	v1 =	vmul.f32 v2, v1;
	_ =	sdelay $0x1  }
0x10d: {  	v14 =	vor.u32 $0x19, v4;
	v0 =	vadd.f32 v1, v0;
	v1 =	vld [tilespmem:$0x1FE80]  }
0x10e: {  	v10 =	vld [tilespmem:$0x1FE90];
	v7 =	vadd.f32 v13, v7  }
0x10f: {  	v9 =	vld.idx.msk [tilespmem:v9+s25+$0x0], $0xffff  }
0x110: {  	v8 =	vld [tilespmem:$0x1FED0];
	v2 =	vadd.f32 v6, v7;
	_ =	sdelay $0x1  }
0x111: {  	v5 =	vld.idx.msk [tilespmem:v14+s16+$0x0], $0xffff;
	v1 =	vmul.f32 v2, v1;
	_ =	sdelay $0x1  }
0x112: {  	v12 =	vor.u32 $0x1A, v4;
	v0 =	vadd.f32 v1, v0;
	v1 =	vld [tilespmem:$0x1FE50]  }
0x113: {  	v13 =	vld [tilespmem:$0x1FE60];
	v8 =	vadd.f32 v9, v8  }
0x114: {  	v10 =	vld.idx.msk [tilespmem:v10+s25+$0x0], $0xffff  }
0x115: {  	v7 =	vld [tilespmem:$0x1FEA0];
	v2 =	vadd.f32 v5, v8;
	_ =	sdelay $0x1  }
0x116: {  	v3 =	vld.idx.msk [tilespmem:v12+s16+$0x0], $0xffff;
	v1 =	vmul.f32 v2, v1  }
0x117: {  	v9 =	vld [tilespmem:$0x1FE30]  }
0x118: {  	v11 =	vor.u32 $0x1B, v4;
	v0 =	vadd.f32 v1, v0;
	v1 =	vld [tilespmem:$0x1FE20]  }
0x119: {  	v7 =	vadd.f32 v10, v7  }
0x11a: {  	v13 =	vld.idx.msk [tilespmem:v13+s25+$0x0], $0xffff  }
0x11b: {  	v8 =	vld [tilespmem:$0x1FE70];
	v2 =	vadd.f32 v3, v7  }
0x11c: {  	v14 =	vor.u32 $0x1C, v4;
	v10 =	vld [tilespmem:$0x1FE00]  }
0x11d: {  	v6 =	vld.idx.msk [tilespmem:v11+s16+$0x0], $0xffff;
	v1 =	vmul.f32 v2, v1;
	_ =	sdelay $0x1  }
0x11e: {  	v0 =	vadd.f32 v1, v0;
	v1 =	vld [tilespmem:$0x1FDF0]  }
0x11f: {  	v12 =	vor.u32 $0x1D, v4;
	v9 =	vld.idx.msk [tilespmem:v9+s25+$0x0], $0xffff;
	v8 =	vadd.f32 v13, v8  }
0x120: {  	v5 =	vld.idx.msk [tilespmem:v14+s16+$0x0], $0xffff  }
0x121: {  	v7 =	vld [tilespmem:$0x1FE40];
	v2 =	vadd.f32 v6, v8  }
0x122: {  	v11 =	vor.u32 $0x1E, v4;
	v13 =	vld.idx.msk [tilespmem:v49+s25+$0x0], $0xffff  }
0x123: {  	v10 =	vld.idx.msk [tilespmem:v10+s25+$0x0], $0xffff;
	v1 =	vmul.f32 v2, v1  }
0x124: {  	v4 =	vor.u32 $0x1F, v4;
	v3 =	vld.idx.msk [tilespmem:v12+s16+$0x0], $0xffff  }
0x125: {  	v0 =	vadd.f32 v1, v0;
	v1 =	vld [tilespmem:$0x1FDB0]  }
0x126: {  	v7 =	vadd.f32 v9, v7;
	v9 =	vld.idx.msk [tilespmem:v21+s25+$0x0], $0xffff  }
0x127: {  	v6 =	vld.idx.msk [tilespmem:v11+s16+$0x0], $0xffff  }
0x128: {  	v8 =	vld [tilespmem:$0x1FE10];
	v2 =	vadd.f32 v5, v7  }
0x129: {  	v5 =	vld.idx.msk [tilespmem:v4+s16+$0x0], $0xffff  }
0x12a: {  	v4 =	vld [tilespmem:$0x1FDA0];
	v1 =	vmul.f32 v2, v1  }
0x12b: {  	v7 =	vld [tilespmem:$0x1FDC0]  }
0x12c: {  	v0 =	vadd.f32 v1, v0;
	v1 =	vld [tilespmem:$0x1FDD0]  }
0x12d: {  	v8 =	vadd.f32 v10, v8  }
0x12e: {  	v10 =	vld.idx.msk [tilespmem:v49+s18+$0x0], $0xffff  }
0x12f: {  	v4 =	vadd.f32 v13, v4;
	v2 =	vadd.f32 v3, v8  }
0x130: {  	v3 =	vld.idx.msk [tilespmem:v21+s18+$0x0], $0xffff  }
0x131: {  	v7 =	vadd.f32 v9, v7;
	v1 =	vmul.f32 v2, v1;
	v2 =	vadd.f32 v6, v4;
	_ =	sdelay $0x1  }
0x132: {  	v5 =	vadd.f32 v5, v7;
	v0 =	vadd.f32 v1, v0;
	v2 =	vmul.f32 v2, v10;
	_ =	sdelay $0x1  }
0x133: {  	v0 =	vadd.f32 v2, v0;
	v2 =	vmul.f32 v5, v3;
	v5 =	vld [tilespmem:$0x1FDE0]  }
0x134: {  	v41 =	vlaneseq.u32  }
0x135: {  	v4 =	vor.u32 s22, v41  }
0x136: {  	v1 =	vshll.u32 v4, $0x5  }
0x137: {  	v0 =	vadd.f32 v2, v0;
	v2 =	vor.u32 $0x1B, v1;
	_ =	sdelay $0x3  }
0x138: {  	[tilespmem:v5+s31+$0x0] =	vst.idx.msk $0xffff, v0  }
0x139: {  	v6 =	vor.u32 $0x1D, v1;
	v0 =	vld.idx.msk [tilespmem:v2+s18+$0x0], $0xffff;
	_ =	sdelay $0x4  }
0x13a: {  	v5 =	vor.u32 $0x1A, v1;
	[tilespmem:$0x1FDF0] =	vst v0;
	v0 =	vld.idx.msk [tilespmem:v6+s19+$0x0], $0xffff;
	_ =	sdelay $0x4  }
0x13b: {  	v3 =	vor.u32 $0x1C, v1;
	[tilespmem:$0x1FE10] =	vst v0;
	v0 =	vld.idx.msk [tilespmem:v5+s18+$0x0], $0xffff;
	_ =	sdelay $0x4  }
0x13c: {  	v7 =	vor.u32 $0x19, v1;
	[tilespmem:$0x1FE20] =	vst v0;
	v0 =	vld.idx.msk [tilespmem:v3+s19+$0x0], $0xffff;
	_ =	sdelay $0x4  }
0x13d: {  	[tilespmem:$0x1FE40] =	vst v0;
	v0 =	vld.idx.msk [tilespmem:v7+s18+$0x0], $0xffff;
	_ =	sdelay $0x4  }
0x13e: {  	v24 =	vor.u32 $0x18, v1;
	[tilespmem:$0x1FE50] =	vst v0;
	v0 =	vld.idx.msk [tilespmem:v2+s19+$0x0], $0xffff;
	_ =	sdelay $0x4  }
0x13f: {  	[tilespmem:$0x1FE70] =	vst v0;
	v0 =	vld.idx.msk [tilespmem:v24+s18+$0x0], $0xffff;
	_ =	sdelay $0x4  }
0x140: {  	v27 =	vor.u32 $0x17, v1;
	[tilespmem:$0x1FE80] =	vst v0;
	v0 =	vld.idx.msk [tilespmem:v5+s19+$0x0], $0xffff;
	_ =	sdelay $0x4  }
0x141: {  	[tilespmem:$0x1FEA0] =	vst v0;
	v0 =	vld.idx.msk [tilespmem:v27+s18+$0x0], $0xffff;
	_ =	sdelay $0x4  }
0x142: {  	v30 =	vor.u32 $0x16, v1;
	[tilespmem:$0x1FEB0] =	vst v0;
	v0 =	vld.idx.msk [tilespmem:v7+s19+$0x0], $0xffff;
	_ =	sdelay $0x4  }
0x143: {  	[tilespmem:$0x1FED0] =	vst v0;
	v0 =	vld.idx.msk [tilespmem:v30+s18+$0x0], $0xffff;
	_ =	sdelay $0x4  }
0x144: {  	v33 =	vor.u32 $0x15, v1;
	[tilespmem:$0x1FEE0] =	vst v0;
	v0 =	vld.idx.msk [tilespmem:v24+s19+$0x0], $0xffff;
	_ =	sdelay $0x4  }
0x145: {  	[tilespmem:$0x1FEF0] =	vst v0;
	v0 =	vld.idx.msk [tilespmem:v33+s18+$0x0], $0xffff;
	_ =	sdelay $0x4  }
0x146: {  	v36 =	vor.u32 $0x14, v1;
	[tilespmem:$0x1FF00] =	vst v0;
	v0 =	vld.idx.msk [tilespmem:v27+s19+$0x0], $0xffff;
	_ =	sdelay $0x4  }
0x147: {  	[tilespmem:$0x1FF10] =	vst v0;
	v0 =	vld.idx.msk [tilespmem:v36+s18+$0x0], $0xffff;
	_ =	sdelay $0x4  }
0x148: {  	v40 =	vor.u32 $0x13, v1;
	[tilespmem:$0x1FF20] =	vst v0;
	v0 =	vld.idx.msk [tilespmem:v30+s19+$0x0], $0xffff;
	_ =	sdelay $0x4  }
0x149: {  	[tilespmem:$0x1FF30] =	vst v0;
	v0 =	vld.idx.msk [tilespmem:v40+s18+$0x0], $0xffff;
	_ =	sdelay $0x4  }
0x14a: {  	v42 =	vor.u32 $0x12, v1;
	[tilespmem:$0x1FF40] =	vst v0;
	v0 =	vld.idx.msk [tilespmem:v33+s19+$0x0], $0xffff;
	_ =	sdelay $0x4  }
0x14b: {  	[tilespmem:$0x1FF50] =	vst v0;
	v0 =	vld.idx.msk [tilespmem:v42+s18+$0x0], $0xffff;
	_ =	sdelay $0x4  }
0x14c: {  	v45 =	vor.u32 $0x11, v1;
	[tilespmem:$0x1FF60] =	vst v0;
	v0 =	vld.idx.msk [tilespmem:v36+s19+$0x0], $0xffff;
	_ =	sdelay $0x4  }
0x14d: {  	[tilespmem:$0x1FF70] =	vst v0;
	v0 =	vld.idx.msk [tilespmem:v45+s18+$0x0], $0xffff;
	_ =	sdelay $0x4  }
0x14e: {  	v48 =	vor.u32 $0x10, v1;
	[tilespmem:$0x1FF80] =	vst v0;
	v0 =	vld.idx.msk [tilespmem:v40+s19+$0x0], $0xffff;
	_ =	sdelay $0x4  }
0x14f: {  	[tilespmem:$0x1FF90] =	vst v0;
	v0 =	vld.idx.msk [tilespmem:v48+s18+$0x0], $0xffff;
	_ =	sdelay $0x4  }
0x150: {  	v51 =	vor.u32 $0xF, v1;
	[tilespmem:$0x1FFA0] =	vst v0;
	v0 =	vld.idx.msk [tilespmem:v42+s19+$0x0], $0xffff;
	_ =	sdelay $0x4  }
0x151: {  	[tilespmem:$0x1FFB0] =	vst v0;
	v0 =	vld.idx.msk [tilespmem:v51+s18+$0x0], $0xffff;
	_ =	sdelay $0x1  }
0x152: {  	v44 =	vor.u32 $0x1F, v1;
	_ =	sdelay $0x1  }
0x153: {  	v47 =	vor.u32 $0x1E, v1  }
0x154: {  	v55 =	vor.u32 $0xE, v1;
	[tilespmem:$0x1FFC0] =	vst v0;
	v0 =	vld.idx.msk [tilespmem:v45+s19+$0x0], $0xffff  }
0x155: {  	v59 =	vor.u32 $0xD, v1;
	v21 =	vld.idx.msk [tilespmem:v6+s18+$0x0], $0xffff  }
0x156: {  	v46 =	vld.idx.msk [tilespmem:v44+s19+$0x0], $0xffff  }
0x157: {  	v62 =	vor.u32 $0xC, v1;
	v49 =	vld.idx.msk [tilespmem:v3+s18+$0x0], $0xffff  }
0x158: {  	v53 =	vld.idx.msk [tilespmem:v47+s19+$0x0], $0xffff  }
0x159: {  	[tilespmem:$0x1FFD0] =	vst v0;
	v0 =	vld.idx.msk [tilespmem:v55+s18+$0x0], $0xffff  }
0x15a: {  	v50 =	vld.idx.msk [tilespmem:v59+s18+$0x0], $0xffff  }
0x15b: {  	v52 =	vld.idx.msk [tilespmem:v51+s19+$0x0], $0xffff  }
0x15c: {  	[tilespmem:$0x1FE00] =	vst v6;
	v54 =	vld.idx.msk [tilespmem:v62+s18+$0x0], $0xffff;
	v6 =	vor.u32 $0xA, v1  }
0x15d: {  	[tilespmem:$0x1FEC0] =	vst v7;
	v56 =	vld.idx.msk [tilespmem:v55+s19+$0x0], $0xffff;
	v7 =	vor.u32 $0x9, v1  }
0x15e: {  	v58 =	vld.idx.msk [tilespmem:v59+s19+$0x0], $0xffff;
	[tilespmem:$0x1FFE0] =	vst v0;
	v0 =	vor.u32 $0xB, v1  }
0x15f: {  	p0 =	sne.s32 s22, $0x1F0;
	[tilespmem:$0x1FE60] =	vst v2;
	v2 =	vld.idx.msk [tilespmem:v48+s19+$0x0], $0xffff  }
.Ltmp0:
0x160: {  	v61 =	vld.idx.msk [tilespmem:v62+s19+$0x0], $0xffff;
	(pc) =	sbr.rel @p0 .LBB2_2-.Ltmp0, $4  }
0x161: {  	v60 =	vld.idx.msk [tilespmem:v6+s18+$0x0], $0xffff  }
0x162: {  	[tilespmem:$0x1FE30] =	vst v3;
	v63 =	vld.idx.msk [tilespmem:v7+s18+$0x0], $0xffff  }
0x163: {  	[tilespmem:$0x1FE90] =	vst v5;
	v57 =	vld.idx.msk [tilespmem:v0+s18+$0x0], $0xffff  }
0x164: {  	s22 =	sadd.s32 $0x10, s22;
	v8 =	vor.u32 $0x8, v1;
	v10 =	vor.u32 $0x7, v1;
	v14 =	vor.u32 $0x6, v1;
	[tilespmem:$0x1FFF0] =	vst v2;
	v3 =	vld.idx.msk [tilespmem:v0+s19+$0x0], $0xffff  }
0x165: {  	_ =	sdelay $0x3  }
0x166: {  	v4 =	vand.u32 v43, v4;
	v23 =	vld.idx.msk [tilespmem:v1+s18+$0x0], $0xffff  }
0x167: {  	v5 =	vor.u32 $0x1, v1;
	v25 =	vld.idx.msk [tilespmem:v1+s19+$0x0], $0xffff  }
0x168: {  	v26 =	vld.idx.msk [tilespmem:v1+s25+$0x0], $0xffff  }
0x169: {  	v39 =	vld.idx.msk [tilespmem:v14+s19+$0x0], $0xffff  }
0x16a: {  	v9 =	vor.u32 $0x2, v1;
	v0 =	vld.idx.msk [tilespmem:v0+s25+$0x0], $0xffff  }
0x16b: {  	v2 =	vld.idx.msk [tilespmem:v4+s20+$0x0], $0xffff  }
0x16c: {  	v11 =	vld.idx.msk [tilespmem:v5+s18+$0x0], $0xffff  }
0x16d: {  	v15 =	vor.u32 $0x3, v1;
	v12 =	vld.idx.msk [tilespmem:v5+s19+$0x0], $0xffff  }
0x16e: {  	v5 =	vld.idx.msk [tilespmem:v5+s25+$0x0], $0xffff  }
0x16f: {  	v16 =	vld.idx.msk [tilespmem:v9+s18+$0x0], $0xffff  }
0x170: {  	v17 =	vld.idx.msk [tilespmem:v9+s19+$0x0], $0xffff  }
0x171: {  	v22 =	vor.u32 $0x4, v1;
	v9 =	vld.idx.msk [tilespmem:v9+s25+$0x0], $0xffff  }
0x172: {  	v18 =	vld.idx.msk [tilespmem:v15+s18+$0x0], $0xffff  }
0x173: {  	v19 =	vld.idx.msk [tilespmem:v15+s19+$0x0], $0xffff  }
0x174: {  	v1 =	vor.u32 $0x5, v1;
	v15 =	vld.idx.msk [tilespmem:v15+s25+$0x0], $0xffff  }
0x175: {  	v2 =	vld.idx.msk [tilespmem:v2+s15+$0x0], $0xffff  }
0x176: {  	v29 =	vld.idx.msk [tilespmem:v22+s18+$0x0], $0xffff  }
0x177: {  	v31 =	vld.idx.msk [tilespmem:v22+s19+$0x0], $0xffff  }
0x178: {  	v22 =	vld.idx.msk [tilespmem:v22+s25+$0x0], $0xffff  }
0x179: {  	v34 =	vld.idx.msk [tilespmem:v1+s18+$0x0], $0xffff  }
0x17a: {  	v35 =	vld.idx.msk [tilespmem:v1+s19+$0x0], $0xffff;
	v2 =	vshll.u32 v2, $0x5  }
0x17b: {  	v1 =	vld.idx.msk [tilespmem:v1+s25+$0x0], $0xffff;
	v13 =	vor.u32 $0x1, v2  }
0x17c: {  	v25 =	vadd.f32 v26, v25;
	v26 =	vld.idx.msk [tilespmem:v14+s18+$0x0], $0xffff;
	v20 =	vor.u32 $0x2, v2  }
0x17d: {  	v5 =	vadd.f32 v5, v12;
	v12 =	vld.idx.msk [tilespmem:v14+s25+$0x0], $0xffff;
	v28 =	vor.u32 $0x3, v2  }
0x17e: {  	v9 =	vadd.f32 v9, v17;
	v17 =	vld.idx.msk [tilespmem:v10+s19+$0x0], $0xffff;
	v32 =	vor.u32 $0x4, v2  }
0x17f: {  	v14 =	vor.u32 $0x6, v2;
	v37 =	vld.idx.msk [tilespmem:v2+s16+$0x0], $0xffff  }
0x180: {  	v38 =	vor.u32 $0x5, v2;
	v13 =	vld.idx.msk [tilespmem:v13+s16+$0x0], $0xffff  }
0x181: {  	v20 =	vld.idx.msk [tilespmem:v20+s16+$0x0], $0xffff  }
0x182: {  	v28 =	vld.idx.msk [tilespmem:v28+s16+$0x0], $0xffff  }
0x183: {  	v32 =	vld.idx.msk [tilespmem:v32+s16+$0x0], $0xffff  }
0x184: {  	v14 =	vld.idx.msk [tilespmem:v14+s16+$0x0], $0xffff  }
0x185: {  	v25 =	vadd.f32 v37, v25;
	v37 =	vld.idx.msk [tilespmem:v38+s16+$0x0], $0xffff  }
0x186: {  	v5 =	vadd.f32 v13, v5;
	v13 =	vld.idx.msk [tilespmem:v10+s18+$0x0], $0xffff  }
0x187: {  	v15 =	vadd.f32 v15, v19;
	v19 =	vor.u32 $0x8, v2;
	v10 =	vld.idx.msk [tilespmem:v10+s25+$0x0], $0xffff  }
0x188: {  	v9 =	vadd.f32 v20, v9;
	v20 =	vld.idx.msk [tilespmem:v7+s19+$0x0], $0xffff  }
0x189: {  	v23 =	vmul.f32 v25, v23;
	v25 =	vor.u32 $0x7, v2;
	v5 =	vmul.f32 v5, v11;
	v11 =	vld.idx.msk [tilespmem:v8+s18+$0x0], $0xffff  }
0x18a: {  	v15 =	vadd.f32 v28, v15;
	v28 =	vadd.f32 v22, v31;
	v9 =	vmul.f32 v9, v16;
	v16 =	vld.idx.msk [tilespmem:v8+s19+$0x0], $0xffff  }
0x18b: {  	v1 =	vadd.f32 v1, v35;
	v8 =	vld.idx.msk [tilespmem:v8+s25+$0x0], $0xffff  }
0x18c: {  	v35 =	vadd.f32 v32, v28;
	v28 =	vld.idx.msk [tilespmem:v19+s16+$0x0], $0xffff  }
0x18d: {  	v38 =	vadd.f32 $0.0e+00, v23;
	v23 =	vld.idx.msk [tilespmem:v7+s25+$0x0], $0xffff;
	v1 =	vadd.f32 v37, v1  }
0x18e: {  	v31 =	vmul.f32 v15, v18;
	v15 =	vld.idx.msk [tilespmem:v25+s16+$0x0], $0xffff  }
0x18f: {  	v37 =	vor.u32 $0xB, v2;
	v5 =	vadd.f32 v5, v38;
	v1 =	vmul.f32 v1, v34;
	v34 =	vld.idx.msk [tilespmem:v6+s25+$0x0], $0xffff  }
0x190: {  	v38 =	vor.u32 $0x9, v2;
	v8 =	vadd.f32 v8, v16;
	v16 =	vld.idx.msk [tilespmem:v45+s25+$0x0], $0xffff  }
0x191: {  	v25 =	vmul.f32 v35, v29;
	v29 =	vor.u32 $0xA, v2;
	v5 =	vadd.f32 v9, v5;
	v45 =	vld [tilespmem:$0x1FF80]  }
0x192: {  	v7 =	vadd.f32 v23, v20;
	v23 =	vld.idx.msk [tilespmem:v62+s25+$0x0], $0xffff  }
0x193: {  	v5 =	vadd.f32 v31, v5;
	v31 =	vld.idx.msk [tilespmem:v6+s19+$0x0], $0xffff  }
0x194: {  	v8 =	vadd.f32 v28, v8;
	v28 =	vld.idx.msk [tilespmem:v37+s16+$0x0], $0xffff  }
0x195: {  	v35 =	vld.idx.msk [tilespmem:v38+s16+$0x0], $0xffff  }
0x196: {  	v10 =	vadd.f32 v10, v17;
	v20 =	vor.u32 $0xC, v2;
	v19 =	vld.idx.msk [tilespmem:v29+s16+$0x0], $0xffff  }
0x197: {  	v37 =	vor.u32 $0xF, v2;
	v29 =	vld.idx.msk [tilespmem:v59+s25+$0x0], $0xffff  }
0x198: {  	v12 =	vadd.f32 v12, v39;
	v39 =	vadd.f32 v15, v10;
	v15 =	vld [tilespmem:$0x1FF20]  }
0x199: {  	v9 =	vadd.f32 v23, v61;
	v61 =	vld.idx.msk [tilespmem:v48+s25+$0x0], $0xffff  }
0x19a: {  	v23 =	vld [tilespmem:$0x1FFE0]  }
0x19b: {  	v0 =	vadd.f32 v0, v3;
	v6 =	vadd.f32 v34, v31;
	v34 =	vld.idx.msk [tilespmem:v20+s16+$0x0], $0xffff  }
0x19c: {  	v10 =	vld.idx.msk [tilespmem:v37+s16+$0x0], $0xffff  }
0x19d: {  	v0 =	vadd.f32 v28, v0;
	v28 =	vld.idx.msk [tilespmem:v40+s25+$0x0], $0xffff  }
0x19e: {  	v37 =	vld [tilespmem:$0x1FFA0]  }
0x19f: {  	v5 =	vadd.f32 v25, v5;
	v25 =	vor.u32 $0xD, v2;
	v40 =	vld.idx.msk [tilespmem:v33+s25+$0x0], $0xffff  }
0x1a0: {  	v59 =	vor.u32 $0x10, v2;
	v33 =	vld [tilespmem:$0x1FE30]  }
0x1a1: {  	v7 =	vadd.f32 v35, v7;
	v35 =	vld.idx.msk [tilespmem:v55+s25+$0x0], $0xffff  }
0x1a2: {  	v55 =	vld.idx.msk [tilespmem:v51+s25+$0x0], $0xffff  }
0x1a3: {  	v51 =	vld.idx.msk [tilespmem:v30+s25+$0x0], $0xffff  }
0x1a4: {  	v32 =	vadd.f32 v14, v12;
	v22 =	vmul.f32 v39, v13;
	v39 =	vld.idx.msk [tilespmem:v25+s16+$0x0], $0xffff  }
0x1a5: {  	v13 =	vld.idx.msk [tilespmem:v59+s16+$0x0], $0xffff  }
0x1a6: {  	v62 =	vor.u32 $0x11, v2;
	v38 =	vmul.f32 v32, v26;
	v6 =	vadd.f32 v19, v6;
	v19 =	vld [tilespmem:$0x1FFF0]  }
0x1a7: {  	v26 =	vmul.f32 v8, v11;
	v1 =	vadd.f32 v1, v5;
	v11 =	vadd.f32 v29, v58;
	v29 =	vld [tilespmem:$0x1FFD0]  }
0x1a8: {  	v31 =	vor.u32 $0xE, v2;
	v0 =	vmul.f32 v0, v57;
	v57 =	vld.idx.msk [tilespmem:v27+s25+$0x0], $0xffff  }
0x1a9: {  	v1 =	vadd.f32 v38, v1;
	v59 =	vld [tilespmem:$0x1FF50]  }
0x1aa: {  	v17 =	vor.u32 $0x12, v2;
	v27 =	vld [tilespmem:$0x1FE60]  }
0x1ab: {  	v1 =	vadd.f32 v22, v1;
	v22 =	vld.idx.msk [tilespmem:v62+s16+$0x0], $0xffff  }
0x1ac: {  	v62 =	vld [tilespmem:$0x1FF30]  }
0x1ad: {  	v38 =	vmul.f32 v6, v60;
	v60 =	vld.idx.msk [tilespmem:v31+s16+$0x0], $0xffff  }
0x1ae: {  	v1 =	vadd.f32 v26, v1;
	v26 =	vld.idx.msk [tilespmem:v42+s25+$0x0], $0xffff  }
0x1af: {  	v32 =	vmul.f32 v7, v63;
	v7 =	vadd.f32 v34, v9;
	v34 =	vld.idx.msk [tilespmem:v17+s16+$0x0], $0xffff  }
0x1b0: {  	v3 =	vadd.f32 v35, v56;
	v35 =	vld.idx.msk [tilespmem:v36+s25+$0x0], $0xffff  }
0x1b1: {  	v56 =	vld [tilespmem:$0x1FF60]  }
0x1b2: {  	v1 =	vadd.f32 v32, v1;
	v32 =	vld [tilespmem:$0x1FFC0]  }
0x1b3: {  	v6 =	vadd.f32 v39, v11;
	v39 =	vld [tilespmem:$0x1FFB0]  }
0x1b4: {  	v20 =	vor.u32 $0x13, v2;
	v63 =	vmul.f32 v7, v54;
	v54 =	vld [tilespmem:$0x1FF70]  }
0x1b5: {  	v5 =	vadd.f32 v61, v19;
	v61 =	vld.idx.msk [tilespmem:v24+s25+$0x0], $0xffff  }
0x1b6: {  	v8 =	vadd.f32 v55, v52;
	v7 =	vadd.f32 v16, v29;
	v16 =	vld [tilespmem:$0x1FF10]  }
0x1b7: {  	v29 =	vld [tilespmem:$0x1FEB0]  }
0x1b8: {  	v31 =	vor.u32 $0x14, v2;
	v25 =	vadd.f32 v10, v8;
	v8 =	vadd.f32 v40, v59;
	v40 =	vld [tilespmem:$0x1FE70]  }
0x1b9: {  	v42 =	vor.u32 $0x16, v2;
	v18 =	vmul.f32 v6, v50;
	v6 =	vld.idx.msk [tilespmem:v20+s16+$0x0], $0xffff  }
0x1ba: {  	v50 =	vld [tilespmem:$0x1FF90]  }
0x1bb: {  	v17 =	vor.u32 $0x1A, v2;
	v20 =	vld [tilespmem:$0x1FEC0]  }
0x1bc: {  	v36 =	vor.u32 $0x15, v2;
	v1 =	vadd.f32 v38, v1;
	v38 =	vadd.f32 v22, v7;
	v22 =	vld [tilespmem:$0x1FE90]  }
0x1bd: {  	v48 =	vld.idx.msk [tilespmem:v31+s16+$0x0], $0xffff  }
0x1be: {  	v9 =	vld.idx.msk [tilespmem:v42+s16+$0x0], $0xffff;
	v0 =	vadd.f32 v0, v1  }
0x1bf: {  	v24 =	vor.u32 $0x1B, v2;
	v3 =	vadd.f32 v60, v3;
	v60 =	vld [tilespmem:$0x1FF40]  }
0x1c0: {  	v31 =	vld.idx.msk [tilespmem:v17+s16+$0x0], $0xffff;
	v0 =	vadd.f32 v63, v0  }
0x1c1: {  	v52 =	vor.u32 $0x17, v2;
	v55 =	vld.idx.msk [tilespmem:v36+s16+$0x0], $0xffff  }
0x1c2: {  	v1 =	vmul.f32 v3, v23;
	v23 =	vld [tilespmem:$0x1FEF0];
	v0 =	vadd.f32 v18, v0  }
0x1c3: {  	v58 =	vor.u32 $0x18, v2;
	v5 =	vadd.f32 v13, v5;
	v11 =	vadd.f32 v35, v54;
	v35 =	vld [tilespmem:$0x1FE80]  }
0x1c4: {  	v7 =	vadd.f32 v26, v39;
	v36 =	vld.idx.msk [tilespmem:v24+s16+$0x0], $0xffff;
	v0 =	vadd.f32 v1, v0;
	v1 =	vmul.f32 v25, v32  }
0x1c5: {  	v54 =	vld [tilespmem:$0x1FE10]  }
0x1c6: {  	v3 =	vadd.f32 v34, v7;
	v7 =	vld.idx.msk [tilespmem:v52+s16+$0x0], $0xffff;
	v0 =	vadd.f32 v1, v0;
	v1 =	vmul.f32 v5, v37  }
0x1c7: {  	v63 =	vor.u32 $0x19, v2;
	v10 =	vadd.f32 v28, v50;
	v50 =	vld [tilespmem:$0x1FE40]  }
0x1c8: {  	v18 =	vld [tilespmem:$0x1FF00];
	v0 =	vadd.f32 v1, v0;
	v1 =	vmul.f32 v38, v45  }
0x1c9: {  	v6 =	vadd.f32 v6, v10;
	v10 =	vld.idx.msk [tilespmem:v58+s16+$0x0], $0xffff  }
0x1ca: {  	v3 =	vmul.f32 v3, v56;
	v25 =	vld [tilespmem:$0x1FEE0];
	v0 =	vadd.f32 v1, v0  }
0x1cb: {  	v32 =	vld [tilespmem:$0x1FED0];
	v5 =	vadd.f32 v48, v11;
	v11 =	vadd.f32 v51, v62  }
0x1cc: {  	v28 =	vor.u32 $0x1C, v2;
	v26 =	vld.idx.msk [tilespmem:v63+s16+$0x0], $0xffff;
	v0 =	vadd.f32 v3, v0;
	v3 =	vmul.f32 v6, v60  }
0x1cd: {  	v19 =	vadd.f32 v9, v11;
	v9 =	vld.idx.msk [tilespmem:v20+s25+$0x0], $0xffff  }
0x1ce: {  	v38 =	vld [tilespmem:$0x1FE00];
	v1 =	vadd.f32 v55, v8;
	v0 =	vadd.f32 v3, v0;
	v3 =	vmul.f32 v5, v15  }
0x1cf: {  	v37 =	vld [tilespmem:$0x1FEA0]  }
0x1d0: {  	v11 =	vld.idx.msk [tilespmem:v22+s25+$0x0], $0xffff;
	v1 =	vmul.f32 v1, v18;
	v5 =	vadd.f32 v57, v16;
	v0 =	vadd.f32 v3, v0  }
0x1d1: {  	v42 =	vld.idx.msk [tilespmem:v28+s16+$0x0], $0xffff;
	v6 =	vadd.f32 v61, v23  }
0x1d2: {  	v45 =	vld [tilespmem:$0x1FE50];
	v5 =	vadd.f32 v7, v5;
	v0 =	vadd.f32 v1, v0;
	v1 =	vmul.f32 v19, v25  }
0x1d3: {  	v34 =	vor.u32 $0x1D, v2;
	v8 =	vadd.f32 v9, v32;
	v7 =	vld.idx.msk [tilespmem:v27+s25+$0x0], $0xffff  }
0x1d4: {  	v9 =	vld.idx.msk [tilespmem:v33+s25+$0x0], $0xffff;
	v30 =	vadd.f32 v10, v6;
	v0 =	vadd.f32 v1, v0;
	v1 =	vmul.f32 v5, v29  }
0x1d5: {  	v39 =	vor.u32 $0x1E, v2;
	v51 =	vld [tilespmem:$0x1FE20];
	v11 =	vadd.f32 v11, v37  }
0x1d6: {  	v13 =	vld.idx.msk [tilespmem:v38+s25+$0x0], $0xffff;
	v3 =	vadd.f32 v26, v8;
	v0 =	vadd.f32 v1, v0;
	v1 =	vmul.f32 v30, v35  }
0x1d7: {  	v2 =	vor.u32 $0x1F, v2;
	v55 =	vld [tilespmem:$0x1FDF0];
	v6 =	vadd.f32 v31, v11  }
0x1d8: {  	v48 =	vld.idx.msk [tilespmem:v47+s25+$0x0], $0xffff;
	v3 =	vmul.f32 v3, v45;
	v7 =	vadd.f32 v7, v40;
	v0 =	vadd.f32 v1, v0  }
0x1d9: {  	v10 =	vld.idx.msk [tilespmem:v34+s16+$0x0], $0xffff;
	v9 =	vadd.f32 v9, v50  }
0x1da: {  	v8 =	vld.idx.msk [tilespmem:v39+s16+$0x0], $0xffff;
	v5 =	vadd.f32 v36, v7;
	v0 =	vadd.f32 v3, v0;
	v3 =	vmul.f32 v6, v51  }
0x1db: {  	v52 =	vld.idx.msk [tilespmem:v44+s25+$0x0], $0xffff;
	v7 =	vadd.f32 v13, v54  }
0x1dc: {  	v56 =	vld.idx.msk [tilespmem:v47+s18+$0x0], $0xffff;
	v1 =	vadd.f32 v42, v9;
	v0 =	vadd.f32 v3, v0;
	v3 =	vmul.f32 v5, v55  }
0x1dd: {  	v2 =	vld.idx.msk [tilespmem:v2+s16+$0x0], $0xffff;
	v57 =	vadd.f32 v48, v53  }
0x1de: {  	v58 =	vadd.f32 v10, v7;
	v1 =	vmul.f32 v1, v49;
	v0 =	vadd.f32 v3, v0  }
0x1df: {  	v59 =	vld.idx.msk [tilespmem:v44+s18+$0x0], $0xffff;
	v61 =	vadd.f32 v8, v57  }
0x1e0: {  	v6 =	vadd.f32 v52, v46;
	v60 =	vmul.f32 v58, v21;
	v0 =	vadd.f32 v1, v0;
	_ =	sdelay $0x1  }
0x1e1: {  	v62 =	vmul.f32 v61, v56;
	v2 =	vadd.f32 v2, v6;
	v0 =	vadd.f32 v60, v0;
	_ =	sdelay $0x1  }
0x1e2: {  	v63 =	vmul.f32 v2, v59;
	v0 =	vadd.f32 v62, v0;
	_ =	sdelay $0x1  }
0x1e3: {  	s8 =	sadd.s32 $0x1, s8;
	v0 =	vadd.f32 v63, v0  }
0x1e4: {  	p0 =	sne.s32 s8, s12  }
.Ltmp1:
0x1e5: {  	[tilespmem:v4+s31+$0x0] =	vst.idx.msk $0xffff, v0;
	(pc) =	sbr.rel @p0 .LBB2_1-.Ltmp1, $4  }
0x1e6: {  	[hbm4b:s11+s3] =	stream.linear.scatter [tilespmem:s31], [sflag:$0x6], $0x200, $0x38;
	[tilespmem:$0xFB90] =	vst v63  }
0x1e7: {  	_ =	swait.ge [sflag:s13], $0x200  }
0x1e8: {  	[sflag:s13] =	ssyncset.done $0x0  }
0x1e9: {  	[sflag:s13] =	ssyncadd.s32 $0xFFFFFE00  }
0x1ea: {  	_ =	sfence.sel $0x180000  }
0x1eb: {  	[bflag:$0x0] =	sbarrier.arrive $0xFFFF  }
0x1ec: {  	_ =	strace $0x90000047  }
0x1ed: {  	s0 =	stileid.u32;
	[bflag:$0x2] =	sbarrier.arrive $0xFFFF  }
0x1ee: {  	p0 =	sne.s32 s0, $0x0;
	s0 =	rddreg [dreg:$0x6]  }
0x1ef: {  	s0 =	sadd.s32 @!p0 $0x100000, s0  }
0x1f0: {  	[sflag:s0] =	ssyncadd.tile.s32 @!p0 $0x1;
	_ =	shalt  }
.Lfunc_end2:
_tile_overlayer_lowered:
.L_overlay_start_2:
0x1f1: {  	(tag) =	ssettag $0x2  }
0x1f2: {  	s0 =	rddreg [dreg:$0x0];
	s2 =	stileid.u32  }
0x1f3: {  	s1 =	rddreg [dreg:$0x1];
	p0 =	sne.s32 s2, $0x0  }
0x1f4: {  	s3 =	rddreg [dreg:$0x2];
	[bflag:$0x3] =	sbarrier.arrive $0xFFFF;
	s2 =	simm.s32 @!p0 $0x1C06  }
0x1f5: {  	[timem:s3], [sflag:s2] =	dma.local @!p0 [hbm:s0], s1  }
0x1f6: {  	s0 =	simm.s32 @!p0 $0x6  }
0x1f7: {  	_ =	swait.ge @!p0 [sflag:s0], s1  }
0x1f8: {  	s1 =	ssub.s32 @!p0 $0x0, s1;
	[sflag:s0] =	ssyncset.done @!p0 $0x0  }
0x1f9: {  	[sflag:s0] =	ssyncadd.s32 @!p0 s1  }
0x1fa: {  	[bflag:$0x3] =	sbarrier.arrive $0xFFFF  }
0x1fb: {  	_ =	shalt  }

</sc_bundles>
